<compile_context>
chip_gen: v7x
topology: tpu7x:2x2x1
jax: 0.10.2.dev20260603
libtpu: 0.0.44.dev20260713+nightly
codegen_flags: <defaults>
</compile_context>

<pallas_src>
import functools

import jax
import jax.numpy as jnp
from jax import lax
from jax.experimental import pallas as pl
from jax.experimental.pallas import tpu as pltpu
from jax.experimental.pallas import tpu_sc as plsc

B = 1024
Q = 65536
EMB = 512
NKNN = 100
TEMP = 0.07
NCLS = 1000
KQ = Q // B

TILE_N = 1024
NT = Q // TILE_N
NGR = Q // 128
NCH = Q // 512

NSUB = 32
RPW = B // NSUB
CAP_G = 320
CAP_C = 512
NEG = -1e30



def _k1_body(ptr_ref, f_ref, qf_ref, s3_ref, tf_ref, nqf_ref, m_ref):
    j = pl.program_id(0)
    s = lax.dot_general(f_ref[...], qf_ref[...],
                        dimension_numbers=(((1,), (1,)), ((), ())),
                        preferred_element_type=jnp.float32)
    s3_ref[...] = s.reshape(B, 8, 128)
    cm2 = jnp.max(s.reshape(B, 2, 512), axis=2)
    lane = lax.broadcasted_iota(jnp.int32, (B, NCH), 1)
    m_ref[...] = jnp.where(lane == 2 * j, cm2[:, 0:1],
                           jnp.where(lane == 2 * j + 1, cm2[:, 1:2],
                                     m_ref[...]))
    nqf_ref[...] = qf_ref[...]

    @pl.when(j == ptr_ref[0])
    def _():
        nqf_ref[...] = f_ref[...]

    @pl.when(j == NT - 1)
    def _():
        bits = lax.bitcast_convert_type(m_ref[...], jnp.uint32)
        keys = jnp.where(bits >> 31 == 0, bits | jnp.uint32(0x80000000), ~bits)

        def bit_step(i, res):
            sh = lax.shift_left(jnp.uint32(1), (31 - i).astype(jnp.uint32))
            cand = res | sh
            cnt = jnp.sum((keys >= cand).astype(jnp.int32), axis=1,
                          keepdims=True)
            return jnp.where(cnt >= NKNN, cand, res)

        res = lax.fori_loop(0, 32, bit_step, jnp.zeros((B, 1), jnp.uint32))
        dec = jnp.where(res >> 31 != 0, res ^ jnp.uint32(0x80000000), ~res)
        tf = lax.bitcast_convert_type(dec, jnp.float32)
        tf_ref[...] = jnp.broadcast_to(tf, (B, 16))


def _k1(queue_ptr, features, qf_flat):
    grid_spec = pltpu.PrefetchScalarGridSpec(
        num_scalar_prefetch=1,
        grid=(NT,),
        in_specs=[
            pl.BlockSpec((B, EMB), lambda j, p: (0, 0)),
            pl.BlockSpec((TILE_N, EMB), lambda j, p: (j, 0)),
        ],
        out_specs=[
            pl.BlockSpec((B, 8, 128), lambda j, p: (0, j, 0)),
            pl.BlockSpec((B, 16), lambda j, p: (0, 0)),
            pl.BlockSpec((TILE_N, EMB), lambda j, p: (j, 0)),
        ],
        scratch_shapes=[pltpu.VMEM((B, NCH), jnp.float32)],
    )
    return pl.pallas_call(
        _k1_body,
        grid_spec=grid_spec,
        out_shape=[
            jax.ShapeDtypeStruct((B, NGR, 128), jnp.float32),
            jax.ShapeDtypeStruct((B, 16), jnp.float32),
            jax.ShapeDtypeStruct((Q, EMB), jnp.float32),
        ],
    )(queue_ptr, features, qf_flat)



def _k1b_body(s3_ref, s128_ref):
    s128_ref[...] = jnp.max(s3_ref[...], axis=2)


def _k1b(s3):
    return pl.pallas_call(
        _k1b_body,
        grid=(32,),
        in_specs=[pl.BlockSpec((B // 32, NGR, 128), lambda i: (i, 0, 0))],
        out_specs=pl.BlockSpec((B // 32, NGR), lambda i: (i, 0)),
        out_shape=jax.ShapeDtypeStruct((B, NGR), jnp.float32),
    )(s3)



def _f2key(v):
    bits = lax.bitcast_convert_type(v, jnp.uint32)
    return jnp.where(bits >> 31 == 0, bits | jnp.uint32(0x80000000), ~bits)


def _k2_body(sg, s128, tf, itab, qlab, topv, topl,
             tf_v, s128row, gidl, gidg, gatv, gati,
             cval, cidx, ckey, outv, outi, outl, sem, sem2, sem3):
    nc = 2
    wid = lax.axis_index("s") * nc + lax.axis_index("c")
    r0 = wid * RPW
    pltpu.sync_copy(tf.at[pl.ds(r0, RPW)], tf_v)
    lane16 = lax.iota(jnp.int32, 16)
    zeros16 = jnp.zeros((16,), jnp.int32)
    neg16 = jnp.full((16,), NEG, jnp.float32)
    bigi16 = jnp.full((16,), Q - 1, jnp.int32)
    i0 = jnp.int32(0)

    def compact2(dst_a, dst_b, ptr, va, vb, keep):
        skey = jnp.where(keep, lane16, lane16 + 16)
        _, sa = plsc.sort_key_val(skey, va)
        _, sb = plsc.sort_key_val(skey, vb)
        dst_a[pl.ds(ptr, 16)] = sa
        dst_b[pl.ds(ptr, 16)] = sb
        return ptr + jnp.sum(keep.astype(jnp.int32))

    def row_body(rl, _):
        r = r0 + rl
        t_v = tf_v[rl]
        pltpu.sync_copy(s128.at[r], s128row)

        def g_step(c, gptr):
            v = s128row[pl.ds(c * 16, 16)]
            hot = v >= t_v
            gl = c * 16 + lane16
            skey = jnp.where(hot, lane16, lane16 + 16)
            _, sgl = plsc.sort_key_val(skey, gl)
            gidl[pl.ds(gptr, 16)] = sgl
            gidg[pl.ds(gptr, 16)] = sgl + r * NGR
            return jnp.minimum(gptr + jnp.sum(hot.astype(jnp.int32)),
                               CAP_G)

        gptr = lax.fori_loop(0, NGR // 16, g_step, i0)

        def pad_step(i, _):
            gidl[pl.ds(gptr + i * 16, 16)] = zeros16
            gidg[pl.ds(gptr + i * 16, 16)] = zeros16 + r * NGR
            return 0

        lax.fori_loop(0, 8, pad_step, 0)
        nb = (gptr + 127) // 128

        def fire(b, _):
            sl = pl.ds(b * 128, 128)
            pltpu.make_async_copy(sg.at[gidg.at[sl]], gatv.at[sl, :],
                                  sem).start()
            pltpu.make_async_copy(itab.at[gidl.at[sl]], gati.at[sl, :],
                                  sem2).start()
            return 0

        def drain(b, _):
            sl = pl.ds(b * 128, 128)
            pltpu.make_async_copy(sg.at[gidg.at[sl]], gatv.at[sl, :],
                                  sem).wait()
            pltpu.make_async_copy(itab.at[gidl.at[sl]], gati.at[sl, :],
                                  sem2).wait()
            return 0

        lax.fori_loop(0, nb, fire, 0)
        lax.fori_loop(0, nb, drain, 0)

        def c_step(q, cptr):
            def h_step(h, cp):
                gv = gatv[q, pl.ds(h * 16, 16)]
                m = gv >= t_v

                def do(cp2):
                    gi = gati[q, pl.ds(h * 16, 16)]
                    return compact2(cval, cidx, cp2, gv, gi, m)

                return lax.cond(jnp.any(m), do, lambda c: c, cp)

            return jnp.minimum(lax.fori_loop(0, 8, h_step, cptr), CAP_C)

        cptr = lax.fori_loop(0, gptr, c_step, i0)

        def cpad(i, _):
            cval[pl.ds(cptr + i * 16, 16)] = neg16
            cidx[pl.ds(cptr + i * 16, 16)] = bigi16
            return 0

        lax.fori_loop(0, 2, cpad, 0)
        nv = (cptr + 15) // 16

        def kstep(i, _):
            ckey[pl.ds(i * 16, 16)] = _f2key(cval[pl.ds(i * 16, 16)])
            return 0

        lax.fori_loop(0, nv, kstep, 0)

        def count_ge(thr):
            def cb(i, acc):
                kv = ckey[pl.ds(i * 16, 16)]
                return acc + jnp.where(kv >= thr, 1, 0)
            return jnp.sum(lax.fori_loop(0, nv, cb, zeros16))

        def bstep(i, res):
            sh = lax.shift_left(jnp.uint32(1), (31 - i).astype(jnp.uint32))
            cand = res | sh
            return jnp.where(count_ge(cand) >= NKNN, cand, res)

        tkey = lax.fori_loop(0, 32, bstep, jnp.uint32(0))

        def cnt2(i, acc):
            kv = ckey[pl.ds(i * 16, 16)]
            return (acc[0] + jnp.where(kv > tkey, 1, 0),
                    acc[1] + jnp.where(kv == tkey, 1, 0))

        a_gt, a_eq = lax.fori_loop(0, nv, cnt2, (zeros16, zeros16))
        cnt_gt = jnp.sum(a_gt)
        cnt_eq = jnp.sum(a_eq)
        need_eq = NKNN - cnt_gt

        def tie_search(_):
            def tb(i, res2):
                cand2 = res2 | lax.shift_left(jnp.int32(1), 16 - i)

                def tc(k, acc):
                    kv = ckey[pl.ds(k * 16, 16)]
                    iv = cidx[pl.ds(k * 16, 16)]
                    return acc + jnp.where((kv == tkey) & (iv < cand2), 1, 0)

                cnt = jnp.sum(lax.fori_loop(0, nv, tc, zeros16))
                return jnp.where(cnt < need_eq, cand2, res2)

            return lax.fori_loop(0, 17, tb, i0)

        idx_cut = lax.cond(cnt_eq > need_eq, tie_search,
                           lambda _: jnp.int32(Q), i0)

        def opad(i, _):
            outv[pl.ds(i * 16, 16)] = neg16
            outi[pl.ds(i * 16, 16)] = zeros16
            return 0

        lax.fori_loop(0, 8, opad, 0)

        def sel_step(i, optr):
            kv = ckey[pl.ds(i * 16, 16)]
            iv = cidx[pl.ds(i * 16, 16)]
            vv = cval[pl.ds(i * 16, 16)]
            sel = (kv > tkey) | ((kv == tkey) & (iv <= idx_cut))

            def do(op):
                return jnp.minimum(compact2(outv, outi, op, vv, iv, sel), 112)

            return lax.cond(jnp.any(sel), do, lambda o: o, optr)

        lax.fori_loop(0, nv, sel_step, i0)

        pltpu.make_async_copy(qlab.at[outi], outl, sem3).start()
        pltpu.make_async_copy(qlab.at[outi], outl, sem3).wait()
        pltpu.sync_copy(outv, topv.at[r])
        pltpu.sync_copy(outl, topl.at[r])
        return 0

    lax.fori_loop(0, RPW, row_body, 0)


def _k2(sg, s128, tf, itab, qlab):
    mesh = plsc.VectorSubcoreMesh(core_axis_name="c", subcore_axis_name="s")
    kfn = pl.kernel(
        _k2_body,
        out_type=[
            jax.ShapeDtypeStruct((B, 128), jnp.float32),
            jax.ShapeDtypeStruct((B, 128), jnp.int32),
        ],
        mesh=mesh,
        compiler_params=pltpu.CompilerParams(needs_layout_passes=False),
        scratch_types=[
            pltpu.VMEM((RPW, 16), jnp.float32),
            pltpu.VMEM((NGR,), jnp.float32),
            pltpu.VMEM((CAP_G + 128,), jnp.int32),
            pltpu.VMEM((CAP_G + 128,), jnp.int32),
            pltpu.VMEM((CAP_G + 128, 128), jnp.float32),
            pltpu.VMEM((CAP_G + 128, 128), jnp.int32),
            pltpu.VMEM((CAP_C + 32,), jnp.float32),
            pltpu.VMEM((CAP_C + 32,), jnp.int32),
            pltpu.VMEM((CAP_C + 32,), jnp.uint32),
            pltpu.VMEM((128,), jnp.float32),
            pltpu.VMEM((128,), jnp.int32),
            pltpu.VMEM((128,), jnp.int32),
            pltpu.SemaphoreType.DMA,
            pltpu.SemaphoreType.DMA,
            pltpu.SemaphoreType.DMA,
        ],
    )
    return kfn(sg, s128, tf, itab, qlab)



def _k3_body(ptr_ref, topv_ref, topl_ref, labc_ref, labr_ref, ql_ref,
             acc_ref, nql_ref, votes_ref, ws_ref, ls_ref):
    w0 = jnp.exp(topv_ref[...] / jnp.float32(TEMP))
    lf = topl_ref[...].astype(jnp.float32)
    votes_ref[...] = jnp.zeros((B, 1024), jnp.float32)
    clsf = lax.broadcasted_iota(jnp.int32, (B, 1024), 1).astype(jnp.float32)
    sub = lax.broadcasted_iota(jnp.int32, (128, 4), 0)
    sub2 = lax.broadcasted_iota(jnp.int32, (128, 4), 1)
    slot = lax.broadcasted_iota(jnp.int32, (B, 128), 1)

    def r_step(it, vk):
        m = jnp.max(vk, axis=1, keepdims=True)
        pos = jnp.min(jnp.where(vk == m, slot, jnp.int32(1 << 30)), axis=1,
                      keepdims=True)
        sel = slot == pos
        lab = jnp.sum(jnp.where(sel, lf, 0.0), axis=1, keepdims=True)
        wsel = jnp.sum(jnp.where(sel, w0, 0.0), axis=1, keepdims=True)
        ws_ref[...] = jnp.where(slot == it, wsel, ws_ref[...])
        ls_ref[...] = jnp.where(slot == it, lab, ls_ref[...])
        return jnp.where(sel, jnp.float32(NEG), vk)

    ws_ref[...] = jnp.zeros((B, 128), jnp.float32)
    ls_ref[...] = jnp.zeros((B, 128), jnp.float32)
    lax.fori_loop(0, NKNN, r_step, topv_ref[...])
    w = ws_ref[...]
    lfs = ls_ref[...]

    def j_step(j, _):
        oh = jnp.where(sub == 4 * j + sub2, jnp.float32(1), jnp.float32(0))
        lj = lax.dot_general(lfs, oh, dimension_numbers=(((1,), (0,)), ((), ())),
                             precision=lax.Precision.HIGHEST,
                             preferred_element_type=jnp.float32)
        wj = lax.dot_general(w, oh, dimension_numbers=(((1,), (0,)), ((), ())),
                             precision=lax.Precision.HIGHEST,
                             preferred_element_type=jnp.float32)
        bsum = jnp.where(clsf == lj[:, 0:1], wj[:, 0:1], 0.0)
        for u in range(1, 4):
            bsum = bsum + jnp.where(clsf == lj[:, u:u + 1], wj[:, u:u + 1], 0.0)
        votes_ref[...] = votes_ref[...] + bsum
        return 0

    lax.fori_loop(0, NKNN // 4, j_step, 0)
    votes = votes_ref[...]
    m = jnp.max(votes, axis=1, keepdims=True)
    clsi = lax.broadcasted_iota(jnp.int32, (B, 1024), 1)
    pred = jnp.min(jnp.where(votes == m, clsi, jnp.int32(1 << 30)), axis=1,
                   keepdims=True)
    correct = (pred == labc_ref[...]).astype(jnp.float32)
    acc_ref[...] = jnp.sum(correct, axis=0, keepdims=True) * jnp.float32(1.0 / B)
    rows = lax.broadcasted_iota(jnp.int32, (KQ, B), 0)
    nql_ref[...] = jnp.where(rows == ptr_ref[0], labr_ref[...], ql_ref[...])


def _k3(queue_ptr, topv, topl, labc, labr, queue_labels):
    grid_spec = pltpu.PrefetchScalarGridSpec(
        num_scalar_prefetch=1,
        grid=(1,),
        in_specs=[
            pl.BlockSpec((B, 128), lambda i, p: (0, 0)),
            pl.BlockSpec((B, 128), lambda i, p: (0, 0)),
            pl.BlockSpec((B, 1), lambda i, p: (0, 0)),
            pl.BlockSpec((1, B), lambda i, p: (0, 0)),
            pl.BlockSpec((KQ, B), lambda i, p: (0, 0)),
        ],
        out_specs=[
            pl.BlockSpec((1, 1), lambda i, p: (0, 0)),
            pl.BlockSpec((KQ, B), lambda i, p: (0, 0)),
        ],
        scratch_shapes=[pltpu.VMEM((B, 1024), jnp.float32),
                        pltpu.VMEM((B, 128), jnp.float32),
                        pltpu.VMEM((B, 128), jnp.float32)],
    )
    return pl.pallas_call(
        _k3_body,
        grid_spec=grid_spec,
        out_shape=[
            jax.ShapeDtypeStruct((1, 1), jnp.float32),
            jax.ShapeDtypeStruct((KQ, B), jnp.int32),
        ],
    )(queue_ptr, topv, topl, labc, labr, queue_labels)



def kernel(features, labels, queue_features, queue_labels, queue_ptr):
    qf_flat = jnp.reshape(queue_features, (Q, EMB))
    s3, tf, nqf = _k1(queue_ptr, features, qf_flat)
    s128 = _k1b(s3)
    sg = jnp.reshape(s3, (B * NGR, 128))
    itab = jnp.arange(Q, dtype=jnp.int32).reshape(NGR, 128)
    qlab_flat = jnp.reshape(queue_labels, (Q,))
    topv, topl = _k2(sg, s128, tf, itab, qlab_flat)
    acc, nql = _k3(queue_ptr, topv, topl,
                   jnp.reshape(labels, (B, 1)), jnp.reshape(labels, (1, B)),
                   queue_labels)
    accuracy = jnp.reshape(acc, ())
    new_queue_features = jnp.reshape(nqf, (KQ, B, EMB))
    new_queue_ptr = jnp.remainder(queue_ptr + 1, KQ)
    return accuracy, new_queue_features, nql, new_queue_ptr

# --- scband reference (transcript-rebuilt; emitter-appended) ---
"""Pipeline reference for scband-online-knn-31138512896770 (READ-ONLY COPY).

The authoritative reference and input builder live on the scoring server;
editing this copy changes nothing except your own understanding.
"""

import jax, jax.numpy as jnp
import numpy as np

BATCH = 1024
QUEUE_SIZE = 65536
NUM_KNNS = 100
TEMPERATURE = 0.07
NUM_CLASSES = 1000
EMB = 512
K = QUEUE_SIZE // BATCH  # 64


def setup_inputs(seed: int = 0) -> dict:
    key = jax.random.key(seed)
    k1, k2, k3, k4 = jax.random.split(key, 4)
    features = jax.random.normal(k1, (BATCH, EMB), jnp.float32)
    features = features / (jnp.linalg.norm(features, axis=-1, keepdims=True) + 1e-8)
    labels = jax.random.randint(k2, (BATCH,), 0, NUM_CLASSES).astype(jnp.int32)
    queue_features = jax.random.normal(k3, (K, BATCH, EMB), jnp.float32)
    queue_features = queue_features / (jnp.linalg.norm(queue_features, axis=-1, keepdims=True) + 1e-8)
    queue_labels = jax.random.randint(k4, (K, BATCH), 0, NUM_CLASSES).astype(jnp.int32)
    queue_ptr = jnp.zeros((1,), jnp.int32)
    return {"features": features, "labels": labels, "queue_features": queue_features, "queue_labels": queue_labels, "queue_ptr": queue_ptr}


def reference(features, labels, queue_features, queue_labels, queue_ptr):
    # compute_knn_accuracy
    sim_matrix = jnp.einsum('be,kne->bkn', features, queue_features)
    sim_matrix = jnp.reshape(sim_matrix, (BATCH, QUEUE_SIZE))
    sim_weight, sim_indices = jax.lax.top_k(sim_matrix, k=NUM_KNNS)
    sim_weight = jnp.exp(sim_weight / TEMPERATURE)
    # original uses one_hot(sim_indices) @ queue_labels_flat, which is exactly a gather:
    queue_labels_flat = jnp.reshape(queue_labels, (QUEUE_SIZE,))
    sim_labels = jnp.take(queue_labels_flat, sim_indices, axis=0)  # [B, num_knns]
    one_hot_labels = jax.nn.one_hot(sim_labels, NUM_CLASSES, dtype=sim_weight.dtype, axis=-1)
    pred_scores = one_hot_labels * jnp.expand_dims(sim_weight, -1)
    pred_scores = jnp.sum(pred_scores, axis=1)  # [B, num_classes]
    pred_labels = jnp.argmax(pred_scores, axis=-1)
    accuracy = jnp.mean((pred_labels == labels).astype(jnp.float32))
    # update_queue (variable side effects returned as outputs)
    ptr = queue_ptr[0]
    new_queue_features = queue_features.at[ptr].set(features)
    new_queue_labels = queue_labels.at[ptr].set(labels)
    new_queue_ptr = queue_ptr.at[0].set((ptr + 1) % K)
    return accuracy, new_queue_features, new_queue_labels, new_queue_ptr

if __name__ == "__main__":
    import jax
    _d = setup_inputs()
    print(jax.jit(kernel)(*tuple(_d.values())))

</pallas_src>

<mosaic_0001>
#map = affine_map<(d0, d1) -> (0, 0)>
#map1 = affine_map<(d0, d1) -> (0)>
module attributes {stable_mosaic.version = 14 : i64} {
  func.func @_k2_body(%arg0: i32, %arg1: i32, %arg2: memref<524288x128xf32, #tpu.memory_space<hbm>>, %arg3: memref<1024x512xf32, #tpu.memory_space<hbm>>, %arg4: memref<1024x16xf32, #tpu.memory_space<hbm>>, %arg5: memref<512x128xi32, #tpu.memory_space<hbm>>, %arg6: memref<65536xi32, #tpu.memory_space<hbm>>, %arg7: memref<1024x128xf32, #tpu.memory_space<hbm>>, %arg8: memref<1024x128xi32, #tpu.memory_space<hbm>>, %arg9: memref<32x16xf32, #tpu.memory_space<vmem>>, %arg10: memref<512xf32, #tpu.memory_space<vmem>>, %arg11: memref<448xi32, #tpu.memory_space<vmem>>, %arg12: memref<448xi32, #tpu.memory_space<vmem>>, %arg13: memref<448x128xf32, #tpu.memory_space<vmem>>, %arg14: memref<448x128xi32, #tpu.memory_space<vmem>>, %arg15: memref<544xf32, #tpu.memory_space<vmem>>, %arg16: memref<544xi32, #tpu.memory_space<vmem>>, %arg17: memref<544xi32, #tpu.memory_space<vmem>>, %arg18: memref<128xf32, #tpu.memory_space<vmem>>, %arg19: memref<128xi32, #tpu.memory_space<vmem>>, %arg20: memref<128xi32, #tpu.memory_space<vmem>>, %arg21: memref<!tpu.dma_semaphore, #tpu.memory_space<semaphore_mem>>, %arg22: memref<!tpu.dma_semaphore, #tpu.memory_space<semaphore_mem>>, %arg23: memref<!tpu.dma_semaphore, #tpu.memory_space<semaphore_mem>>) attributes {dimension_semantics = [#tpu.dimension_semantics<core_parallel>, #tpu.dimension_semantics<subcore_parallel>], iteration_bounds = array<i64: 2, 16>, scalar_prefetch = 0 : i64, scratch_operands = 15 : i64, tpu.core_type = #tpu.core_type<sc_vector_subcore>, window_params = [{transform_indices = #map}, {transform_indices = #map}, {transform_indices = #map}, {transform_indices = #map}, {transform_indices = #map1}, {transform_indices = #map}, {transform_indices = #map}]} {
    %mul3A = arith.constant 2 : i32
    %mul3A_0 = arith.muli %arg1, %mul3A : i32
    %add3A = arith.addi %mul3A_0, %arg0 : i32
    %mul3A_1 = arith.constant 32 : i32
    %mul3A_2 = arith.muli %add3A, %mul3A_1 : i32
    "tpu.region"() ({
      %run_scoped3A = tpu.sem_alloc : memref<!tpu.dma_semaphore, #tpu.memory_space<semaphore_mem>>
      %dma_start3A = arith.constant 0 : i32
      %dma_start3A_15 = tpu.memref_slice %arg4[%mul3A_2, %dma_start3A] : memref<1024x16xf32, #tpu.memory_space<hbm>> -> memref<32x16xf32, #tpu.memory_space<hbm>>
      %dma_start3A_16 = arith.constant 0 : i32
      %dma_start3A_17 = tpu.memref_slice %arg4[%mul3A_2, %dma_start3A_16] : memref<1024x16xf32, #tpu.memory_space<hbm>> -> memref<32x16xf32, #tpu.memory_space<hbm>>
      tpu.enqueue_dma source(%dma_start3A_17 : memref<32x16xf32, #tpu.memory_space<hbm>>) target(%arg9 : memref<32x16xf32, #tpu.memory_space<vmem>>) target_semaphore(%run_scoped3A : memref<!tpu.dma_semaphore, #tpu.memory_space<semaphore_mem>>)
      %dma_wait3A = arith.constant 0 : i32
      %dma_wait3A_18 = tpu.memref_slice %arg4[%mul3A_2, %dma_wait3A] : memref<1024x16xf32, #tpu.memory_space<hbm>> -> memref<32x16xf32, #tpu.memory_space<hbm>>
      %dma_wait3A_19 = arith.constant 0 : i32
      %dma_wait3A_20 = tpu.memref_slice %arg4[%mul3A_2, %dma_wait3A_19] : memref<1024x16xf32, #tpu.memory_space<hbm>> -> memref<32x16xf32, #tpu.memory_space<hbm>>
      tpu.wait_dma2 semaphore(%run_scoped3A : memref<!tpu.dma_semaphore, #tpu.memory_space<semaphore_mem>>) src(%dma_wait3A_20 : memref<32x16xf32, #tpu.memory_space<hbm>>) dst(%arg9 : memref<32x16xf32, #tpu.memory_space<vmem>>)
      tpu.yield
    }) : () -> ()
    %iota3A = tpu.iota {dimensions = array<i32: 0>} : vector<16xi32>
    %broadcast_in_dim3A = arith.constant 0 : i32
    %broadcast_in_dim3A_3 = vector.broadcast %broadcast_in_dim3A : i32 to vector<16xi32>
    %broadcast_in_dim3A_4 = arith.constant -1.000000e+30 : f32
    %broadcast_in_dim3A_5 = vector.broadcast %broadcast_in_dim3A_4 : f32 to vector<16xf32>
    %broadcast_in_dim3A_6 = arith.constant 65535 : i32
    %broadcast_in_dim3A_7 = vector.broadcast %broadcast_in_dim3A_6 : i32 to vector<16xi32>
    %scan3A = arith.constant 0 : i32
    %scan3A_8 = arith.constant 0 : i32
    %scan3A_9 = arith.constant 0 : i32
    %scan3A_10 = arith.constant 32 : i32
    %scan3A_11 = arith.addi %scan3A_9, %scan3A_10 : i32
    %scan3A_12 = arith.constant 1 : i32
    %scan3A_13 = scf.for %scan3A_15 = %scan3A_9 to %scan3A_11 step %scan3A_12 iter_args(%scan3A_16 = %scan3A_8) -> (i32)  : i32 {
      %add3A_17 = arith.addi %mul3A_2, %scan3A_15 : i32
      %get3A = arith.index_cast %scan3A_15 : i32 to index
      %get3A_18 = arith.constant 0 : index
      %get3A_19 = tpu.vector_load %arg9[%get3A, %get3A_18] {strides = array<i32>} : memref<32x16xf32, #tpu.memory_space<vmem>>, vector<16xf32>,
      "tpu.region"() ({
        %run_scoped3A = tpu.sem_alloc : memref<!tpu.dma_semaphore, #tpu.memory_space<semaphore_mem>>
        %dma_start3A_180 = arith.constant 0 : i32
        %dma_start3A_181 = tpu.memref_slice %arg3[%add3A_17, %dma_start3A_180] : memref<1024x512xf32, #tpu.memory_space<hbm>> -> memref<1x512xf32, #tpu.memory_space<hbm>>
        %dma_start3A_182 = tpu.memref_squeeze %dma_start3A_181 : memref<1x512xf32, #tpu.memory_space<hbm>> -> memref<512xf32, #tpu.memory_space<hbm>>
        %dma_start3A_183 = arith.constant 0 : i32
        %dma_start3A_184 = tpu.memref_slice %arg3[%add3A_17, %dma_start3A_183] : memref<1024x512xf32, #tpu.memory_space<hbm>> -> memref<1x512xf32, #tpu.memory_space<hbm>>
        %dma_start3A_185 = tpu.memref_squeeze %dma_start3A_184 : memref<1x512xf32, #tpu.memory_space<hbm>> -> memref<512xf32, #tpu.memory_space<hbm>>
        tpu.enqueue_dma source(%dma_start3A_185 : memref<512xf32, #tpu.memory_space<hbm>>) target(%arg10 : memref<512xf32, #tpu.memory_space<vmem>>) target_semaphore(%run_scoped3A : memref<!tpu.dma_semaphore, #tpu.memory_space<semaphore_mem>>)
        %dma_wait3A_186 = arith.constant 0 : i32
        %dma_wait3A_187 = tpu.memref_slice %arg3[%add3A_17, %dma_wait3A_186] : memref<1024x512xf32, #tpu.memory_space<hbm>> -> memref<1x512xf32, #tpu.memory_space<hbm>>
        %dma_wait3A_188 = tpu.memref_squeeze %dma_wait3A_187 : memref<1x512xf32, #tpu.memory_space<hbm>> -> memref<512xf32, #tpu.memory_space<hbm>>
        %dma_wait3A_189 = arith.constant 0 : i32
        %dma_wait3A_190 = tpu.memref_slice %arg3[%add3A_17, %dma_wait3A_189] : memref<1024x512xf32, #tpu.memory_space<hbm>> -> memref<1x512xf32, #tpu.memory_space<hbm>>
        %dma_wait3A_191 = tpu.memref_squeeze %dma_wait3A_190 : memref<1x512xf32, #tpu.memory_space<hbm>> -> memref<512xf32, #tpu.memory_space<hbm>>
        tpu.wait_dma2 semaphore(%run_scoped3A : memref<!tpu.dma_semaphore, #tpu.memory_space<semaphore_mem>>) src(%dma_wait3A_191 : memref<512xf32, #tpu.memory_space<hbm>>) dst(%arg10 : memref<512xf32, #tpu.memory_space<vmem>>)
        tpu.yield
      }) : () -> ()
      %scan3A_20 = arith.constant 0 : i32
      %scan3A_21 = arith.constant 32 : i32
      %scan3A_22 = arith.addi %scan3A_20, %scan3A_21 : i32
      %scan3A_23 = arith.constant 1 : i32
      %scan3A_24 = scf.for %scan3A_180 = %scan3A_20 to %scan3A_22 step %scan3A_23 iter_args(%scan3A_181 = %scan3A) -> (i32)  : i32 {
        %mul3A_182 = arith.constant 16 : i32
        %mul3A_183 = arith.muli %scan3A_180, %mul3A_182 : i32
        %get3A_184 = arith.index_cast %mul3A_183 : i32 to index
        %get3A_185 = tpu.vector_load %arg10[%get3A_184] {strides = array<i32>} : memref<512xf32, #tpu.memory_space<vmem>>, vector<16xf32>,
        %ge3A = arith.cmpf oge, %get3A_185, %get3A_19 : vector<16xf32>
        %mul3A_186 = arith.constant 16 : i32
        %mul3A_187 = arith.muli %scan3A_180, %mul3A_186 : i32
        %add3A_188 = vector.broadcast %mul3A_187 : i32 to vector<16xi32>
        %add3A_189 = arith.addi %add3A_188, %iota3A : vector<16xi32>
        %add3A_190 = arith.constant 16 : i32
        %add3A_191 = vector.broadcast %add3A_190 : i32 to vector<16xi32>
        %add3A_192 = arith.addi %iota3A, %add3A_191 : vector<16xi32>
        %select_n3A_193 = arith.select %ge3A, %iota3A, %add3A_192 : vector<16xi1>, vector<16xi32>
        %masked_sort3A = arith.constant dense<true> : vector<16xi1>
        %masked_sort3A_194 = arith.constant -2147483648 : i32
        %masked_sort3A_195 = vector.broadcast %masked_sort3A_194 : i32 to vector<16xi32>
        %masked_sort3A_196 = arith.xori %select_n3A_193, %masked_sort3A_195 : vector<16xi32>
        %masked_sort3A_197, %masked_sort3A_198, %masked_sort3A_199 = tpu.sort %masked_sort3A_196, %add3A_189 masked %masked_sort3A : (vector<16xi32>, vector<16xi32>, vector<16xi1>) -> (vector<16xi1>, vector<16xi32>, vector<16xi32>)
        %masked_sort3A_200 = arith.xori %masked_sort3A_198, %masked_sort3A_195 : vector<16xi32>
        %swap3A = arith.index_cast %scan3A_181 : i32 to index
        %swap3A_201 = tpu.vector_load %arg11[%swap3A] {strides = array<i32>} : memref<448xi32, #tpu.memory_space<vmem>>, vector<16xi32>,
        tpu.vector_store %arg11[%swap3A], %masked_sort3A_199 {strides = array<i32>} : memref<448xi32, #tpu.memory_space<vmem>>, vector<16xi32>,
        %mul3A_202 = arith.constant 512 : i32
        %mul3A_203 = arith.muli %add3A_17, %mul3A_202 : i32
        %add3A_204 = vector.broadcast %mul3A_203 : i32 to vector<16xi32>
        %add3A_205 = arith.addi %masked_sort3A_199, %add3A_204 : vector<16xi32>
        %swap3A_206 = arith.index_cast %scan3A_181 : i32 to index
        %swap3A_207 = tpu.vector_load %arg12[%swap3A_206] {strides = array<i32>} : memref<448xi32, #tpu.memory_space<vmem>>, vector<16xi32>,
        tpu.vector_store %arg12[%swap3A_206], %add3A_205 {strides = array<i32>} : memref<448xi32, #tpu.memory_space<vmem>>, vector<16xi32>,
        %convert_element_type3A_208 = arith.extui %ge3A : vector<16xi1> to vector<16xi32>
        %reduce_sum3A_209 = arith.constant true
        %reduce_sum3A_210 = vector.broadcast %reduce_sum3A_209 : i1 to vector<16xi1>
        %reduce_sum3A_211 = tpu.scan <sum>, %convert_element_type3A_208 masked %reduce_sum3A_210 : vector<16xi32>, vector<16xi1> -> vector<16xi32>
        %reduce_sum3A_212 = vector.extract %reduce_sum3A_211[15] : i32 from vector<16xi32>
        %add3A_213 = arith.addi %scan3A_181, %reduce_sum3A_212 : i32
        %min3A = arith.constant 320 : i32
        %min3A_214 = arith.minsi %add3A_213, %min3A : i32
        scf.yield %min3A_214 : i32
      }
      %scan3A_25 = arith.constant 32 : i32
      %scan3A_26 = arith.constant 0 : i32
      %scan3A_27 = arith.constant 0 : i32
      %scan3A_28 = arith.constant 8 : i32
      %scan3A_29 = arith.addi %scan3A_27, %scan3A_28 : i32
      %scan3A_30 = arith.constant 1 : i32
      %scan3A_31 = scf.for %scan3A_180 = %scan3A_27 to %scan3A_29 step %scan3A_30 iter_args(%scan3A_181 = %scan3A_26) -> (i32)  : i32 {
        %mul3A_182 = arith.constant 16 : i32
        %mul3A_183 = arith.muli %scan3A_180, %mul3A_182 : i32
        %add3A_184 = arith.addi %scan3A_24, %mul3A_183 : i32
        %swap3A = arith.index_cast %add3A_184 : i32 to index
        %swap3A_185 = tpu.vector_load %arg11[%swap3A] {strides = array<i32>} : memref<448xi32, #tpu.memory_space<vmem>>, vector<16xi32>,
        tpu.vector_store %arg11[%swap3A], %broadcast_in_dim3A_3 {strides = array<i32>} : memref<448xi32, #tpu.memory_space<vmem>>, vector<16xi32>,
        %mul3A_186 = arith.constant 512 : i32
        %mul3A_187 = arith.muli %add3A_17, %mul3A_186 : i32
        %add3A_188 = vector.broadcast %mul3A_187 : i32 to vector<16xi32>
        %add3A_189 = arith.addi %broadcast_in_dim3A_3, %add3A_188 : vector<16xi32>
        %mul3A_190 = arith.constant 16 : i32
        %mul3A_191 = arith.muli %scan3A_180, %mul3A_190 : i32
        %add3A_192 = arith.addi %scan3A_24, %mul3A_191 : i32
        %swap3A_193 = arith.index_cast %add3A_192 : i32 to index
        %swap3A_194 = tpu.vector_load %arg12[%swap3A_193] {strides = array<i32>} : memref<448xi32, #tpu.memory_space<vmem>>, vector<16xi32>,
        tpu.vector_store %arg12[%swap3A_193], %add3A_189 {strides = array<i32>} : memref<448xi32, #tpu.memory_space<vmem>>, vector<16xi32>,
        %scan3A_195 = arith.constant 0 : i32
        scf.yield %scan3A_195 : i32
      }
      %scan3A_32 = arith.constant 8 : i32
      %add3A_33 = arith.constant 127 : i32
      %add3A_34 = arith.addi %scan3A_24, %add3A_33 : i32
      %jit3A = arith.constant 128 : i32
      %div3A = arith.divsi %add3A_34, %jit3A : i32
      %sign3A = arith.constant 0 : i32
      %sign3A_35 = arith.cmpi sgt, %add3A_34, %sign3A : i32
      %sign3A_36 = arith.extui %sign3A_35 : i1 to i32
      %sign3A_37 = arith.constant 0 : i32
      %sign3A_38 = arith.cmpi slt, %add3A_34, %sign3A_37 : i32
      %sign3A_39 = arith.extui %sign3A_38 : i1 to i32
      %sign3A_40 = arith.subi %sign3A_36, %sign3A_39 : i32
      %sign3A_41 = arith.constant 0 : i32
      %sign3A_42 = arith.cmpi sgt, %jit3A, %sign3A_41 : i32
      %sign3A_43 = arith.extui %sign3A_42 : i1 to i32
      %sign3A_44 = arith.constant 0 : i32
      %sign3A_45 = arith.cmpi slt, %jit3A, %sign3A_44 : i32
      %sign3A_46 = arith.extui %sign3A_45 : i1 to i32
      %sign3A_47 = arith.subi %sign3A_43, %sign3A_46 : i32
      %ne3A = arith.cmpi ne, %sign3A_40, %sign3A_47 : i32
      %rem3A = arith.remsi %add3A_34, %jit3A : i32
      %ne3A_48 = arith.constant 0 : i32
      %ne3A_49 = arith.cmpi ne, %rem3A, %ne3A_48 : i32
      %and3A = arith.andi %ne3A, %ne3A_49 : i1
      %sub3A = arith.constant 1 : i32
      %sub3A_50 = arith.subi %div3A, %sub3A : i32
      %select_n3A = arith.select %and3A, %sub3A_50, %div3A : i32
      %while3A = arith.constant 0 : i32
      %while3A_51 = arith.constant 0 : i32
      %while3A_52 = arith.subi %select_n3A, %while3A : i32
      %while3A_53 = arith.addi %while3A, %while3A_52 : i32
      %while3A_54 = arith.constant 1 : i32
      %while3A_55 = arith.divsi %while3A_52, %while3A_54 : i32
      %while3A_56 = arith.muli %while3A_55, %while3A_54 : i32
      %while3A_57 = arith.addi %while3A, %while3A_56 : i32
      %while3A_58 = arith.constant 1 : i32
      %while3A_59 = scf.for %while3A_180 = %while3A to %while3A_57 step %while3A_58 iter_args(%while3A_181 = %while3A_51) -> (i32)  : i32 {
        %mul3A_182 = arith.constant 128 : i32
        %mul3A_183 = arith.muli %while3A_180, %mul3A_182 : i32
        %dma_start3A_184 = arith.constant 0 : i32
        %dma_start3A_185 = tpu.memref_slice %arg13[%mul3A_183, %dma_start3A_184] : memref<448x128xf32, #tpu.memory_space<vmem>> -> memref<128x128xf32, #tpu.memory_space<vmem>>
        %dma_start3A_186 = tpu.memref_slice %arg12[%mul3A_183] : memref<448xi32, #tpu.memory_space<vmem>> -> memref<128xi32, #tpu.memory_space<vmem>>
        %dma_start3A_187 = arith.constant 0 : i32
        %dma_start3A_188 = arith.constant 0 : i32
        %dma_start3A_189 = tpu.memref_slice %arg2[%dma_start3A_187, %dma_start3A_188] : memref<524288x128xf32, #tpu.memory_space<hbm>> -> memref<524288x128xf32, #tpu.memory_space<hbm>>
        tpu.enqueue_indirect_dma source(%dma_start3A_189 : memref<524288x128xf32, #tpu.memory_space<hbm>>) target(%dma_start3A_185 : memref<128x128xf32, #tpu.memory_space<vmem>>) offsets(%dma_start3A_186 : memref<128xi32, #tpu.memory_space<vmem>>) semaphore(%arg21 : memref<!tpu.dma_semaphore, #tpu.memory_space<semaphore_mem>>)
        %dma_start3A_190 = arith.constant 0 : i32
        %dma_start3A_191 = tpu.memref_slice %arg14[%mul3A_183, %dma_start3A_190] : memref<448x128xi32, #tpu.memory_space<vmem>> -> memref<128x128xi32, #tpu.memory_space<vmem>>
        %dma_start3A_192 = tpu.memref_slice %arg11[%mul3A_183] : memref<448xi32, #tpu.memory_space<vmem>> -> memref<128xi32, #tpu.memory_space<vmem>>
        %dma_start3A_193 = arith.constant 0 : i32
        %dma_start3A_194 = arith.constant 0 : i32
        %dma_start3A_195 = tpu.memref_slice %arg5[%dma_start3A_193, %dma_start3A_194] : memref<512x128xi32, #tpu.memory_space<hbm>> -> memref<512x128xi32, #tpu.memory_space<hbm>>
        tpu.enqueue_indirect_dma source(%dma_start3A_195 : memref<512x128xi32, #tpu.memory_space<hbm>>) target(%dma_start3A_191 : memref<128x128xi32, #tpu.memory_space<vmem>>) offsets(%dma_start3A_192 : memref<128xi32, #tpu.memory_space<vmem>>) semaphore(%arg22 : memref<!tpu.dma_semaphore, #tpu.memory_space<semaphore_mem>>)
        %while3A_196 = arith.constant 0 : i32
        scf.yield %while3A_196 : i32
      }
      %while3A_60 = arith.constant 1 : i32
      %while3A_61 = scf.for %while3A_180 = %while3A_57 to %while3A_53 step %while3A_60 iter_args(%while3A_181 = %while3A_59) -> (i32)  : i32 {
        %mul3A_182 = arith.constant 128 : i32
        %mul3A_183 = arith.muli %while3A_180, %mul3A_182 : i32
        %dma_start3A_184 = arith.constant 0 : i32
        %dma_start3A_185 = tpu.memref_slice %arg13[%mul3A_183, %dma_start3A_184] : memref<448x128xf32, #tpu.memory_space<vmem>> -> memref<128x128xf32, #tpu.memory_space<vmem>>
        %dma_start3A_186 = tpu.memref_slice %arg12[%mul3A_183] : memref<448xi32, #tpu.memory_space<vmem>> -> memref<128xi32, #tpu.memory_space<vmem>>
        %dma_start3A_187 = arith.constant 0 : i32
        %dma_start3A_188 = arith.constant 0 : i32
        %dma_start3A_189 = tpu.memref_slice %arg2[%dma_start3A_187, %dma_start3A_188] : memref<524288x128xf32, #tpu.memory_space<hbm>> -> memref<524288x128xf32, #tpu.memory_space<hbm>>
        tpu.enqueue_indirect_dma source(%dma_start3A_189 : memref<524288x128xf32, #tpu.memory_space<hbm>>) target(%dma_start3A_185 : memref<128x128xf32, #tpu.memory_space<vmem>>) offsets(%dma_start3A_186 : memref<128xi32, #tpu.memory_space<vmem>>) semaphore(%arg21 : memref<!tpu.dma_semaphore, #tpu.memory_space<semaphore_mem>>)
        %dma_start3A_190 = arith.constant 0 : i32
        %dma_start3A_191 = tpu.memref_slice %arg14[%mul3A_183, %dma_start3A_190] : memref<448x128xi32, #tpu.memory_space<vmem>> -> memref<128x128xi32, #tpu.memory_space<vmem>>
        %dma_start3A_192 = tpu.memref_slice %arg11[%mul3A_183] : memref<448xi32, #tpu.memory_space<vmem>> -> memref<128xi32, #tpu.memory_space<vmem>>
        %dma_start3A_193 = arith.constant 0 : i32
        %dma_start3A_194 = arith.constant 0 : i32
        %dma_start3A_195 = tpu.memref_slice %arg5[%dma_start3A_193, %dma_start3A_194] : memref<512x128xi32, #tpu.memory_space<hbm>> -> memref<512x128xi32, #tpu.memory_space<hbm>>
        tpu.enqueue_indirect_dma source(%dma_start3A_195 : memref<512x128xi32, #tpu.memory_space<hbm>>) target(%dma_start3A_191 : memref<128x128xi32, #tpu.memory_space<vmem>>) offsets(%dma_start3A_192 : memref<128xi32, #tpu.memory_space<vmem>>) semaphore(%arg22 : memref<!tpu.dma_semaphore, #tpu.memory_space<semaphore_mem>>)
        %while3A_196 = arith.constant 0 : i32
        scf.yield %while3A_196 : i32
      }
      %while3A_62 = arith.constant 0 : i32
      %while3A_63 = arith.constant 0 : i32
      %while3A_64 = arith.subi %select_n3A, %while3A_62 : i32
      %while3A_65 = arith.addi %while3A_62, %while3A_64 : i32
      %while3A_66 = arith.constant 1 : i32
      %while3A_67 = arith.divsi %while3A_64, %while3A_66 : i32
      %while3A_68 = arith.muli %while3A_67, %while3A_66 : i32
      %while3A_69 = arith.addi %while3A_62, %while3A_68 : i32
      %while3A_70 = arith.constant 1 : i32
      %while3A_71 = scf.for %while3A_180 = %while3A_62 to %while3A_69 step %while3A_70 iter_args(%while3A_181 = %while3A_63) -> (i32)  : i32 {
        %mul3A_182 = arith.constant 128 : i32
        %mul3A_183 = arith.muli %while3A_180, %mul3A_182 : i32
        %dma_wait3A_184 = arith.constant 0 : i32
        %dma_wait3A_185 = tpu.memref_slice %arg13[%mul3A_183, %dma_wait3A_184] : memref<448x128xf32, #tpu.memory_space<vmem>> -> memref<128x128xf32, #tpu.memory_space<vmem>>
        %dma_wait3A_186 = tpu.memref_slice %arg12[%mul3A_183] : memref<448xi32, #tpu.memory_space<vmem>> -> memref<128xi32, #tpu.memory_space<vmem>>
        %dma_wait3A_187 = arith.constant 0 : i32
        %dma_wait3A_188 = arith.constant 0 : i32
        %dma_wait3A_189 = tpu.memref_slice %arg2[%dma_wait3A_187, %dma_wait3A_188] : memref<524288x128xf32, #tpu.memory_space<hbm>> -> memref<524288x128xf32, #tpu.memory_space<hbm>>
        tpu.wait_indirect_dma semaphore(%arg21 : memref<!tpu.dma_semaphore, #tpu.memory_space<semaphore_mem>>) src(%dma_wait3A_189 : memref<524288x128xf32, #tpu.memory_space<hbm>>) dst(%dma_wait3A_185 : memref<128x128xf32, #tpu.memory_space<vmem>>)
        %dma_wait3A_190 = arith.constant 0 : i32
        %dma_wait3A_191 = tpu.memref_slice %arg14[%mul3A_183, %dma_wait3A_190] : memref<448x128xi32, #tpu.memory_space<vmem>> -> memref<128x128xi32, #tpu.memory_space<vmem>>
        %dma_wait3A_192 = tpu.memref_slice %arg11[%mul3A_183] : memref<448xi32, #tpu.memory_space<vmem>> -> memref<128xi32, #tpu.memory_space<vmem>>
        %dma_wait3A_193 = arith.constant 0 : i32
        %dma_wait3A_194 = arith.constant 0 : i32
        %dma_wait3A_195 = tpu.memref_slice %arg5[%dma_wait3A_193, %dma_wait3A_194] : memref<512x128xi32, #tpu.memory_space<hbm>> -> memref<512x128xi32, #tpu.memory_space<hbm>>
        tpu.wait_indirect_dma semaphore(%arg22 : memref<!tpu.dma_semaphore, #tpu.memory_space<semaphore_mem>>) src(%dma_wait3A_195 : memref<512x128xi32, #tpu.memory_space<hbm>>) dst(%dma_wait3A_191 : memref<128x128xi32, #tpu.memory_space<vmem>>)
        %while3A_196 = arith.constant 0 : i32
        scf.yield %while3A_196 : i32
      }
      %while3A_72 = arith.constant 1 : i32
      %while3A_73 = scf.for %while3A_180 = %while3A_69 to %while3A_65 step %while3A_72 iter_args(%while3A_181 = %while3A_71) -> (i32)  : i32 {
        %mul3A_182 = arith.constant 128 : i32
        %mul3A_183 = arith.muli %while3A_180, %mul3A_182 : i32
        %dma_wait3A_184 = arith.constant 0 : i32
        %dma_wait3A_185 = tpu.memref_slice %arg13[%mul3A_183, %dma_wait3A_184] : memref<448x128xf32, #tpu.memory_space<vmem>> -> memref<128x128xf32, #tpu.memory_space<vmem>>
        %dma_wait3A_186 = tpu.memref_slice %arg12[%mul3A_183] : memref<448xi32, #tpu.memory_space<vmem>> -> memref<128xi32, #tpu.memory_space<vmem>>
        %dma_wait3A_187 = arith.constant 0 : i32
        %dma_wait3A_188 = arith.constant 0 : i32
        %dma_wait3A_189 = tpu.memref_slice %arg2[%dma_wait3A_187, %dma_wait3A_188] : memref<524288x128xf32, #tpu.memory_space<hbm>> -> memref<524288x128xf32, #tpu.memory_space<hbm>>
        tpu.wait_indirect_dma semaphore(%arg21 : memref<!tpu.dma_semaphore, #tpu.memory_space<semaphore_mem>>) src(%dma_wait3A_189 : memref<524288x128xf32, #tpu.memory_space<hbm>>) dst(%dma_wait3A_185 : memref<128x128xf32, #tpu.memory_space<vmem>>)
        %dma_wait3A_190 = arith.constant 0 : i32
        %dma_wait3A_191 = tpu.memref_slice %arg14[%mul3A_183, %dma_wait3A_190] : memref<448x128xi32, #tpu.memory_space<vmem>> -> memref<128x128xi32, #tpu.memory_space<vmem>>
        %dma_wait3A_192 = tpu.memref_slice %arg11[%mul3A_183] : memref<448xi32, #tpu.memory_space<vmem>> -> memref<128xi32, #tpu.memory_space<vmem>>
        %dma_wait3A_193 = arith.constant 0 : i32
        %dma_wait3A_194 = arith.constant 0 : i32
        %dma_wait3A_195 = tpu.memref_slice %arg5[%dma_wait3A_193, %dma_wait3A_194] : memref<512x128xi32, #tpu.memory_space<hbm>> -> memref<512x128xi32, #tpu.memory_space<hbm>>
        tpu.wait_indirect_dma semaphore(%arg22 : memref<!tpu.dma_semaphore, #tpu.memory_space<semaphore_mem>>) src(%dma_wait3A_195 : memref<512x128xi32, #tpu.memory_space<hbm>>) dst(%dma_wait3A_191 : memref<128x128xi32, #tpu.memory_space<vmem>>)
        %while3A_196 = arith.constant 0 : i32
        scf.yield %while3A_196 : i32
      }
      %while3A_74 = arith.constant 0 : i32
      %while3A_75 = arith.subi %scan3A_24, %while3A_74 : i32
      %while3A_76 = arith.addi %while3A_74, %while3A_75 : i32
      %while3A_77 = arith.constant 1 : i32
      %while3A_78 = arith.divsi %while3A_75, %while3A_77 : i32
      %while3A_79 = arith.muli %while3A_78, %while3A_77 : i32
      %while3A_80 = arith.addi %while3A_74, %while3A_79 : i32
      %while3A_81 = arith.constant 1 : i32
      %while3A_82 = scf.for %while3A_180 = %while3A_74 to %while3A_80 step %while3A_81 iter_args(%while3A_181 = %scan3A) -> (i32)  : i32 {
        %scan3A_182 = arith.constant 0 : i32
        %scan3A_183 = arith.constant 8 : i32
        %scan3A_184 = arith.addi %scan3A_182, %scan3A_183 : i32
        %scan3A_185 = arith.constant 1 : i32
        %scan3A_186 = scf.for %scan3A_189 = %scan3A_182 to %scan3A_184 step %scan3A_185 iter_args(%scan3A_190 = %while3A_181) -> (i32)  : i32 {
          %mul3A_191 = arith.constant 16 : i32
          %mul3A_192 = arith.muli %scan3A_189, %mul3A_191 : i32
          %get3A_193 = arith.index_cast %while3A_180 : i32 to index
          %get3A_194 = arith.index_cast %mul3A_192 : i32 to index
          %get3A_195 = tpu.vector_load %arg13[%get3A_193, %get3A_194] {strides = array<i32>} : memref<448x128xf32, #tpu.memory_space<vmem>>, vector<16xf32>,
          %ge3A = arith.cmpf oge, %get3A_195, %get3A_19 : vector<16xf32>
          %reduce_or3A = arith.constant 1.000000e+00 : f32
          %reduce_or3A_196 = arith.constant 0.000000e+00 : f32
          %reduce_or3A_197 = vector.broadcast %reduce_or3A : f32 to vector<16xf32>
          %reduce_or3A_198 = vector.broadcast %reduce_or3A_196 : f32 to vector<16xf32>
          %reduce_or3A_199 = arith.select %ge3A, %reduce_or3A_197, %reduce_or3A_198 : vector<16xi1>, vector<16xf32>
          %reduce_or3A_200 = arith.constant true
          %reduce_or3A_201 = vector.broadcast %reduce_or3A_200 : i1 to vector<16xi1>
          %reduce_or3A_202 = tpu.scan <max>, %reduce_or3A_199 masked %reduce_or3A_201 : vector<16xf32>, vector<16xi1> -> vector<16xf32>
          %reduce_or3A_203 = vector.extract %reduce_or3A_202[15] : f32 from vector<16xf32>
          %reduce_or3A_204 = arith.constant 0.000000e+00 : f32
          %reduce_or3A_205 = arith.cmpf ogt, %reduce_or3A_203, %reduce_or3A_204 : f32
          %convert_element_type3A_206 = arith.extui %reduce_or3A_205 : i1 to i32
          %cond3A_207 = arith.constant 0 : i32
          %cond3A_208 = arith.cmpi ne, %convert_element_type3A_206, %cond3A_207 : i32
          %cond3A_209 = scf.if %cond3A_208 -> (i32) {
            %mul3A_210 = arith.constant 16 : i32
            %mul3A_211 = arith.muli %scan3A_189, %mul3A_210 : i32
            %get3A_212 = arith.index_cast %while3A_180 : i32 to index
            %get3A_213 = arith.index_cast %mul3A_211 : i32 to index
            %get3A_214 = tpu.vector_load %arg14[%get3A_212, %get3A_213] {strides = array<i32>} : memref<448x128xi32, #tpu.memory_space<vmem>>, vector<16xi32>,
            %add3A_215 = arith.constant 16 : i32
            %add3A_216 = vector.broadcast %add3A_215 : i32 to vector<16xi32>
            %add3A_217 = arith.addi %iota3A, %add3A_216 : vector<16xi32>
            %select_n3A_218 = arith.select %ge3A, %iota3A, %add3A_217 : vector<16xi1>, vector<16xi32>
            %masked_sort3A = arith.constant dense<true> : vector<16xi1>
            %masked_sort3A_219 = arith.constant -2147483648 : i32
            %masked_sort3A_220 = vector.broadcast %masked_sort3A_219 : i32 to vector<16xi32>
            %masked_sort3A_221 = arith.xori %select_n3A_218, %masked_sort3A_220 : vector<16xi32>
            %masked_sort3A_222, %masked_sort3A_223, %masked_sort3A_224 = tpu.sort %masked_sort3A_221, %get3A_195 masked %masked_sort3A : (vector<16xi32>, vector<16xf32>, vector<16xi1>) -> (vector<16xi1>, vector<16xi32>, vector<16xf32>)
            %masked_sort3A_225 = arith.xori %masked_sort3A_223, %masked_sort3A_220 : vector<16xi32>
            %masked_sort3A_226 = arith.constant dense<true> : vector<16xi1>
            %masked_sort3A_227 = arith.constant -2147483648 : i32
            %masked_sort3A_228 = vector.broadcast %masked_sort3A_227 : i32 to vector<16xi32>
            %masked_sort3A_229 = arith.xori %select_n3A_218, %masked_sort3A_228 : vector<16xi32>
            %masked_sort3A_230, %masked_sort3A_231, %masked_sort3A_232 = tpu.sort %masked_sort3A_229, %get3A_214 masked %masked_sort3A_226 : (vector<16xi32>, vector<16xi32>, vector<16xi1>) -> (vector<16xi1>, vector<16xi32>, vector<16xi32>)
            %masked_sort3A_233 = arith.xori %masked_sort3A_231, %masked_sort3A_228 : vector<16xi32>
            %swap3A = arith.index_cast %scan3A_190 : i32 to index
            %swap3A_234 = tpu.vector_load %arg15[%swap3A] {strides = array<i32>} : memref<544xf32, #tpu.memory_space<vmem>>, vector<16xf32>,
            tpu.vector_store %arg15[%swap3A], %masked_sort3A_224 {strides = array<i32>} : memref<544xf32, #tpu.memory_space<vmem>>, vector<16xf32>,
            %swap3A_235 = arith.index_cast %scan3A_190 : i32 to index
            %swap3A_236 = tpu.vector_load %arg16[%swap3A_235] {strides = array<i32>} : memref<544xi32, #tpu.memory_space<vmem>>, vector<16xi32>,
            tpu.vector_store %arg16[%swap3A_235], %masked_sort3A_232 {strides = array<i32>} : memref<544xi32, #tpu.memory_space<vmem>>, vector<16xi32>,
            %convert_element_type3A_237 = arith.extui %ge3A : vector<16xi1> to vector<16xi32>
            %reduce_sum3A_238 = arith.constant true
            %reduce_sum3A_239 = vector.broadcast %reduce_sum3A_238 : i1 to vector<16xi1>
            %reduce_sum3A_240 = tpu.scan <sum>, %convert_element_type3A_237 masked %reduce_sum3A_239 : vector<16xi32>, vector<16xi1> -> vector<16xi32>
            %reduce_sum3A_241 = vector.extract %reduce_sum3A_240[15] : i32 from vector<16xi32>
            %add3A_242 = arith.addi %scan3A_190, %reduce_sum3A_241 : i32
            scf.yield %add3A_242 : i32
          } else {
            scf.yield %scan3A_190 : i32
          }
          scf.yield %cond3A_209 : i32
        }
        %scan3A_187 = arith.constant 8 : i32
        %min3A = arith.constant 512 : i32
        %min3A_188 = arith.minsi %scan3A_186, %min3A : i32
        scf.yield %min3A_188 : i32
      }
      %while3A_83 = arith.constant 1 : i32
      %while3A_84 = scf.for %while3A_180 = %while3A_80 to %while3A_76 step %while3A_83 iter_args(%while3A_181 = %while3A_82) -> (i32)  : i32 {
        %scan3A_182 = arith.constant 0 : i32
        %scan3A_183 = arith.constant 8 : i32
        %scan3A_184 = arith.addi %scan3A_182, %scan3A_183 : i32
        %scan3A_185 = arith.constant 1 : i32
        %scan3A_186 = scf.for %scan3A_189 = %scan3A_182 to %scan3A_184 step %scan3A_185 iter_args(%scan3A_190 = %while3A_181) -> (i32)  : i32 {
          %mul3A_191 = arith.constant 16 : i32
          %mul3A_192 = arith.muli %scan3A_189, %mul3A_191 : i32
          %get3A_193 = arith.index_cast %while3A_180 : i32 to index
          %get3A_194 = arith.index_cast %mul3A_192 : i32 to index
          %get3A_195 = tpu.vector_load %arg13[%get3A_193, %get3A_194] {strides = array<i32>} : memref<448x128xf32, #tpu.memory_space<vmem>>, vector<16xf32>,
          %ge3A = arith.cmpf oge, %get3A_195, %get3A_19 : vector<16xf32>
          %reduce_or3A = arith.constant 1.000000e+00 : f32
          %reduce_or3A_196 = arith.constant 0.000000e+00 : f32
          %reduce_or3A_197 = vector.broadcast %reduce_or3A : f32 to vector<16xf32>
          %reduce_or3A_198 = vector.broadcast %reduce_or3A_196 : f32 to vector<16xf32>
          %reduce_or3A_199 = arith.select %ge3A, %reduce_or3A_197, %reduce_or3A_198 : vector<16xi1>, vector<16xf32>
          %reduce_or3A_200 = arith.constant true
          %reduce_or3A_201 = vector.broadcast %reduce_or3A_200 : i1 to vector<16xi1>
          %reduce_or3A_202 = tpu.scan <max>, %reduce_or3A_199 masked %reduce_or3A_201 : vector<16xf32>, vector<16xi1> -> vector<16xf32>
          %reduce_or3A_203 = vector.extract %reduce_or3A_202[15] : f32 from vector<16xf32>
          %reduce_or3A_204 = arith.constant 0.000000e+00 : f32
          %reduce_or3A_205 = arith.cmpf ogt, %reduce_or3A_203, %reduce_or3A_204 : f32
          %convert_element_type3A_206 = arith.extui %reduce_or3A_205 : i1 to i32
          %cond3A_207 = arith.constant 0 : i32
          %cond3A_208 = arith.cmpi ne, %convert_element_type3A_206, %cond3A_207 : i32
          %cond3A_209 = scf.if %cond3A_208 -> (i32) {
            %mul3A_210 = arith.constant 16 : i32
            %mul3A_211 = arith.muli %scan3A_189, %mul3A_210 : i32
            %get3A_212 = arith.index_cast %while3A_180 : i32 to index
            %get3A_213 = arith.index_cast %mul3A_211 : i32 to index
            %get3A_214 = tpu.vector_load %arg14[%get3A_212, %get3A_213] {strides = array<i32>} : memref<448x128xi32, #tpu.memory_space<vmem>>, vector<16xi32>,
            %add3A_215 = arith.constant 16 : i32
            %add3A_216 = vector.broadcast %add3A_215 : i32 to vector<16xi32>
            %add3A_217 = arith.addi %iota3A, %add3A_216 : vector<16xi32>
            %select_n3A_218 = arith.select %ge3A, %iota3A, %add3A_217 : vector<16xi1>, vector<16xi32>
            %masked_sort3A = arith.constant dense<true> : vector<16xi1>
            %masked_sort3A_219 = arith.constant -2147483648 : i32
            %masked_sort3A_220 = vector.broadcast %masked_sort3A_219 : i32 to vector<16xi32>
            %masked_sort3A_221 = arith.xori %select_n3A_218, %masked_sort3A_220 : vector<16xi32>
            %masked_sort3A_222, %masked_sort3A_223, %masked_sort3A_224 = tpu.sort %masked_sort3A_221, %get3A_195 masked %masked_sort3A : (vector<16xi32>, vector<16xf32>, vector<16xi1>) -> (vector<16xi1>, vector<16xi32>, vector<16xf32>)
            %masked_sort3A_225 = arith.xori %masked_sort3A_223, %masked_sort3A_220 : vector<16xi32>
            %masked_sort3A_226 = arith.constant dense<true> : vector<16xi1>
            %masked_sort3A_227 = arith.constant -2147483648 : i32
            %masked_sort3A_228 = vector.broadcast %masked_sort3A_227 : i32 to vector<16xi32>
            %masked_sort3A_229 = arith.xori %select_n3A_218, %masked_sort3A_228 : vector<16xi32>
            %masked_sort3A_230, %masked_sort3A_231, %masked_sort3A_232 = tpu.sort %masked_sort3A_229, %get3A_214 masked %masked_sort3A_226 : (vector<16xi32>, vector<16xi32>, vector<16xi1>) -> (vector<16xi1>, vector<16xi32>, vector<16xi32>)
            %masked_sort3A_233 = arith.xori %masked_sort3A_231, %masked_sort3A_228 : vector<16xi32>
            %swap3A = arith.index_cast %scan3A_190 : i32 to index
            %swap3A_234 = tpu.vector_load %arg15[%swap3A] {strides = array<i32>} : memref<544xf32, #tpu.memory_space<vmem>>, vector<16xf32>,
            tpu.vector_store %arg15[%swap3A], %masked_sort3A_224 {strides = array<i32>} : memref<544xf32, #tpu.memory_space<vmem>>, vector<16xf32>,
            %swap3A_235 = arith.index_cast %scan3A_190 : i32 to index
            %swap3A_236 = tpu.vector_load %arg16[%swap3A_235] {strides = array<i32>} : memref<544xi32, #tpu.memory_space<vmem>>, vector<16xi32>,
            tpu.vector_store %arg16[%swap3A_235], %masked_sort3A_232 {strides = array<i32>} : memref<544xi32, #tpu.memory_space<vmem>>, vector<16xi32>,
            %convert_element_type3A_237 = arith.extui %ge3A : vector<16xi1> to vector<16xi32>
            %reduce_sum3A_238 = arith.constant true
            %reduce_sum3A_239 = vector.broadcast %reduce_sum3A_238 : i1 to vector<16xi1>
            %reduce_sum3A_240 = tpu.scan <sum>, %convert_element_type3A_237 masked %reduce_sum3A_239 : vector<16xi32>, vector<16xi1> -> vector<16xi32>
            %reduce_sum3A_241 = vector.extract %reduce_sum3A_240[15] : i32 from vector<16xi32>
            %add3A_242 = arith.addi %scan3A_190, %reduce_sum3A_241 : i32
            scf.yield %add3A_242 : i32
          } else {
            scf.yield %scan3A_190 : i32
          }
          scf.yield %cond3A_209 : i32
        }
        %scan3A_187 = arith.constant 8 : i32
        %min3A = arith.constant 512 : i32
        %min3A_188 = arith.minsi %scan3A_186, %min3A : i32
        scf.yield %min3A_188 : i32
      }
      %scan3A_85 = arith.constant 0 : i32
      %scan3A_86 = arith.constant 0 : i32
      %scan3A_87 = arith.constant 2 : i32
      %scan3A_88 = arith.addi %scan3A_86, %scan3A_87 : i32
      %scan3A_89 = arith.constant 1 : i32
      %scan3A_90 = scf.for %scan3A_180 = %scan3A_86 to %scan3A_88 step %scan3A_89 iter_args(%scan3A_181 = %scan3A_85) -> (i32)  : i32 {
        %mul3A_182 = arith.constant 16 : i32
        %mul3A_183 = arith.muli %scan3A_180, %mul3A_182 : i32
        %add3A_184 = arith.addi %while3A_84, %mul3A_183 : i32
        %swap3A = arith.index_cast %add3A_184 : i32 to index
        %swap3A_185 = tpu.vector_load %arg15[%swap3A] {strides = array<i32>} : memref<544xf32, #tpu.memory_space<vmem>>, vector<16xf32>,
        tpu.vector_store %arg15[%swap3A], %broadcast_in_dim3A_5 {strides = array<i32>} : memref<544xf32, #tpu.memory_space<vmem>>, vector<16xf32>,
        %mul3A_186 = arith.constant 16 : i32
        %mul3A_187 = arith.muli %scan3A_180, %mul3A_186 : i32
        %add3A_188 = arith.addi %while3A_84, %mul3A_187 : i32
        %swap3A_189 = arith.index_cast %add3A_188 : i32 to index
        %swap3A_190 = tpu.vector_load %arg16[%swap3A_189] {strides = array<i32>} : memref<544xi32, #tpu.memory_space<vmem>>, vector<16xi32>,
        tpu.vector_store %arg16[%swap3A_189], %broadcast_in_dim3A_7 {strides = array<i32>} : memref<544xi32, #tpu.memory_space<vmem>>, vector<16xi32>,
        %scan3A_191 = arith.constant 0 : i32
        scf.yield %scan3A_191 : i32
      }
      %scan3A_91 = arith.constant 2 : i32
      %add3A_92 = arith.constant 15 : i32
      %add3A_93 = arith.addi %while3A_84, %add3A_92 : i32
      %jit3A_94 = arith.constant 16 : i32
      %div3A_95 = arith.divsi %add3A_93, %jit3A_94 : i32
      %sign3A_96 = arith.constant 0 : i32
      %sign3A_97 = arith.cmpi sgt, %add3A_93, %sign3A_96 : i32
      %sign3A_98 = arith.extui %sign3A_97 : i1 to i32
      %sign3A_99 = arith.constant 0 : i32
      %sign3A_100 = arith.cmpi slt, %add3A_93, %sign3A_99 : i32
      %sign3A_101 = arith.extui %sign3A_100 : i1 to i32
      %sign3A_102 = arith.subi %sign3A_98, %sign3A_101 : i32
      %sign3A_103 = arith.constant 0 : i32
      %sign3A_104 = arith.cmpi sgt, %jit3A_94, %sign3A_103 : i32
      %sign3A_105 = arith.extui %sign3A_104 : i1 to i32
      %sign3A_106 = arith.constant 0 : i32
      %sign3A_107 = arith.cmpi slt, %jit3A_94, %sign3A_106 : i32
      %sign3A_108 = arith.extui %sign3A_107 : i1 to i32
      %sign3A_109 = arith.subi %sign3A_105, %sign3A_108 : i32
      %ne3A_110 = arith.cmpi ne, %sign3A_102, %sign3A_109 : i32
      %rem3A_111 = arith.remsi %add3A_93, %jit3A_94 : i32
      %ne3A_112 = arith.constant 0 : i32
      %ne3A_113 = arith.cmpi ne, %rem3A_111, %ne3A_112 : i32
      %and3A_114 = arith.andi %ne3A_110, %ne3A_113 : i1
      %sub3A_115 = arith.constant 1 : i32
      %sub3A_116 = arith.subi %div3A_95, %sub3A_115 : i32
      %select_n3A_117 = arith.select %and3A_114, %sub3A_116, %div3A_95 : i32
      %while3A_118 = arith.constant 0 : i32
      %while3A_119 = arith.constant 0 : i32
      %while3A_120 = arith.subi %select_n3A_117, %while3A_118 : i32
      %while3A_121 = arith.addi %while3A_118, %while3A_120 : i32
      %while3A_122 = arith.constant 1 : i32
      %while3A_123 = arith.divsi %while3A_120, %while3A_122 : i32
      %while3A_124 = arith.muli %while3A_123, %while3A_122 : i32
      %while3A_125 = arith.addi %while3A_118, %while3A_124 : i32
      %while3A_126 = arith.constant 1 : i32
      %while3A_127 = scf.for %while3A_180 = %while3A_118 to %while3A_125 step %while3A_126 iter_args(%while3A_181 = %while3A_119) -> (i32)  : i32 {
        %mul3A_182 = arith.constant 16 : i32
        %mul3A_183 = arith.muli %while3A_180, %mul3A_182 : i32
        %get3A_184 = arith.index_cast %mul3A_183 : i32 to index
        %get3A_185 = tpu.vector_load %arg15[%get3A_184] {strides = array<i32>} : memref<544xf32, #tpu.memory_space<vmem>>, vector<16xf32>,
        %bitcast_convert_type3A = tpu.bitcast %get3A_185 : vector<16xf32> -> vector<16xi32>
        %shift_right_logical3A = arith.constant 31 : i32
        %shift_right_logical3A_186 = vector.broadcast %shift_right_logical3A : i32 to vector<16xi32>
        %shift_right_logical3A_187 = arith.shrui %bitcast_convert_type3A, %shift_right_logical3A_186 : vector<16xi32>
        %eq3A = arith.constant 0 : i32
        %eq3A_188 = vector.broadcast %eq3A : i32 to vector<16xi32>
        %eq3A_189 = arith.cmpi eq, %shift_right_logical3A_187, %eq3A_188 : vector<16xi32>
        %or3A = arith.constant -2147483648 : i32
        %or3A_190 = vector.broadcast %or3A : i32 to vector<16xi32>
        %or3A_191 = arith.ori %bitcast_convert_type3A, %or3A_190 : vector<16xi32>
        %not3A = arith.constant dense<-1> : vector<16xi32>
        %not3A_192 = arith.xori %bitcast_convert_type3A, %not3A : vector<16xi32>
        %select_n3A_193 = arith.select %eq3A_189, %or3A_191, %not3A_192 : vector<16xi1>, vector<16xi32>
        %mul3A_194 = arith.constant 16 : i32
        %mul3A_195 = arith.muli %while3A_180, %mul3A_194 : i32
        %swap3A = arith.index_cast %mul3A_195 : i32 to index
        %swap3A_196 = tpu.vector_load %arg17[%swap3A] {strides = array<i32>} : memref<544xi32, #tpu.memory_space<vmem>>, vector<16xi32>,
        tpu.vector_store %arg17[%swap3A], %select_n3A_193 {strides = array<i32>} : memref<544xi32, #tpu.memory_space<vmem>>, vector<16xi32>,
        %while3A_197 = arith.constant 0 : i32
        scf.yield %while3A_197 : i32
      }
      %while3A_128 = arith.constant 1 : i32
      %while3A_129 = scf.for %while3A_180 = %while3A_125 to %while3A_121 step %while3A_128 iter_args(%while3A_181 = %while3A_127) -> (i32)  : i32 {
        %mul3A_182 = arith.constant 16 : i32
        %mul3A_183 = arith.muli %while3A_180, %mul3A_182 : i32
        %get3A_184 = arith.index_cast %mul3A_183 : i32 to index
        %get3A_185 = tpu.vector_load %arg15[%get3A_184] {strides = array<i32>} : memref<544xf32, #tpu.memory_space<vmem>>, vector<16xf32>,
        %bitcast_convert_type3A = tpu.bitcast %get3A_185 : vector<16xf32> -> vector<16xi32>
        %shift_right_logical3A = arith.constant 31 : i32
        %shift_right_logical3A_186 = vector.broadcast %shift_right_logical3A : i32 to vector<16xi32>
        %shift_right_logical3A_187 = arith.shrui %bitcast_convert_type3A, %shift_right_logical3A_186 : vector<16xi32>
        %eq3A = arith.constant 0 : i32
        %eq3A_188 = vector.broadcast %eq3A : i32 to vector<16xi32>
        %eq3A_189 = arith.cmpi eq, %shift_right_logical3A_187, %eq3A_188 : vector<16xi32>
        %or3A = arith.constant -2147483648 : i32
        %or3A_190 = vector.broadcast %or3A : i32 to vector<16xi32>
        %or3A_191 = arith.ori %bitcast_convert_type3A, %or3A_190 : vector<16xi32>
        %not3A = arith.constant dense<-1> : vector<16xi32>
        %not3A_192 = arith.xori %bitcast_convert_type3A, %not3A : vector<16xi32>
        %select_n3A_193 = arith.select %eq3A_189, %or3A_191, %not3A_192 : vector<16xi1>, vector<16xi32>
        %mul3A_194 = arith.constant 16 : i32
        %mul3A_195 = arith.muli %while3A_180, %mul3A_194 : i32
        %swap3A = arith.index_cast %mul3A_195 : i32 to index
        %swap3A_196 = tpu.vector_load %arg17[%swap3A] {strides = array<i32>} : memref<544xi32, #tpu.memory_space<vmem>>, vector<16xi32>,
        tpu.vector_store %arg17[%swap3A], %select_n3A_193 {strides = array<i32>} : memref<544xi32, #tpu.memory_space<vmem>>, vector<16xi32>,
        %while3A_197 = arith.constant 0 : i32
        scf.yield %while3A_197 : i32
      }
      %scan3A_130 = arith.constant 0 : i32
      %scan3A_131 = arith.constant 0 : i32
      %scan3A_132 = arith.constant 32 : i32
      %scan3A_133 = arith.addi %scan3A_131, %scan3A_132 : i32
      %scan3A_134 = arith.constant 1 : i32
      %scan3A_135 = scf.for %scan3A_180 = %scan3A_131 to %scan3A_133 step %scan3A_134 iter_args(%scan3A_181 = %scan3A_130) -> (i32)  : i32 {
        %sub3A_182 = arith.constant 31 : i32
        %sub3A_183 = arith.subi %sub3A_182, %scan3A_180 : i32
        %shift_left3A = arith.constant 1 : i32
        %shift_left3A_184 = arith.shli %shift_left3A, %sub3A_183 : i32
        %or3A = arith.ori %scan3A_181, %shift_left3A_184 : i32
        %while3A_185 = arith.constant 0 : i32
        %while3A_186 = arith.subi %select_n3A_117, %while3A_185 : i32
        %while3A_187 = arith.addi %while3A_185, %while3A_186 : i32
        %while3A_188 = arith.constant 1 : i32
        %while3A_189 = arith.divsi %while3A_186, %while3A_188 : i32
        %while3A_190 = arith.muli %while3A_189, %while3A_188 : i32
        %while3A_191 = arith.addi %while3A_185, %while3A_190 : i32
        %while3A_192 = arith.constant 1 : i32
        %while3A_193 = scf.for %while3A_202 = %while3A_185 to %while3A_191 step %while3A_192 iter_args(%while3A_203 = %broadcast_in_dim3A_3) -> (vector<16xi32>)  : i32 {
          %mul3A_204 = arith.constant 16 : i32
          %mul3A_205 = arith.muli %while3A_202, %mul3A_204 : i32
          %get3A_206 = arith.index_cast %mul3A_205 : i32 to index
          %get3A_207 = tpu.vector_load %arg17[%get3A_206] {strides = array<i32>} : memref<544xi32, #tpu.memory_space<vmem>>, vector<16xi32>,
          %ge3A_208 = vector.broadcast %or3A : i32 to vector<16xi32>
          %ge3A_209 = arith.cmpi uge, %get3A_207, %ge3A_208 : vector<16xi32>
          %jit3A_210 = arith.constant 1 : i32
          %jit3A_211 = arith.constant 0 : i32
          %broadcast_in_dim3A_212 = vector.broadcast %jit3A_210 : i32 to vector<16xi32>
          %broadcast_in_dim3A_213 = vector.broadcast %jit3A_211 : i32 to vector<16xi32>
          %select_n3A_214 = arith.select %ge3A_209, %broadcast_in_dim3A_212, %broadcast_in_dim3A_213 : vector<16xi1>, vector<16xi32>
          %add3A_215 = arith.addi %while3A_203, %select_n3A_214 : vector<16xi32>
          scf.yield %add3A_215 : vector<16xi32>
        }
        %while3A_194 = arith.constant 1 : i32
        %while3A_195 = scf.for %while3A_202 = %while3A_191 to %while3A_187 step %while3A_194 iter_args(%while3A_203 = %while3A_193) -> (vector<16xi32>)  : i32 {
          %mul3A_204 = arith.constant 16 : i32
          %mul3A_205 = arith.muli %while3A_202, %mul3A_204 : i32
          %get3A_206 = arith.index_cast %mul3A_205 : i32 to index
          %get3A_207 = tpu.vector_load %arg17[%get3A_206] {strides = array<i32>} : memref<544xi32, #tpu.memory_space<vmem>>, vector<16xi32>,
          %ge3A_208 = vector.broadcast %or3A : i32 to vector<16xi32>
          %ge3A_209 = arith.cmpi uge, %get3A_207, %ge3A_208 : vector<16xi32>
          %jit3A_210 = arith.constant 1 : i32
          %jit3A_211 = arith.constant 0 : i32
          %broadcast_in_dim3A_212 = vector.broadcast %jit3A_210 : i32 to vector<16xi32>
          %broadcast_in_dim3A_213 = vector.broadcast %jit3A_211 : i32 to vector<16xi32>
          %select_n3A_214 = arith.select %ge3A_209, %broadcast_in_dim3A_212, %broadcast_in_dim3A_213 : vector<16xi1>, vector<16xi32>
          %add3A_215 = arith.addi %while3A_203, %select_n3A_214 : vector<16xi32>
          scf.yield %add3A_215 : vector<16xi32>
        }
        %reduce_sum3A_196 = arith.constant true
        %reduce_sum3A_197 = vector.broadcast %reduce_sum3A_196 : i1 to vector<16xi1>
        %reduce_sum3A_198 = tpu.scan <sum>, %while3A_195 masked %reduce_sum3A_197 : vector<16xi32>, vector<16xi1> -> vector<16xi32>
        %reduce_sum3A_199 = vector.extract %reduce_sum3A_198[15] : i32 from vector<16xi32>
        %ge3A = arith.constant 100 : i32
        %ge3A_200 = arith.cmpi sge, %reduce_sum3A_199, %ge3A : i32
        %select_n3A_201 = arith.select %ge3A_200, %or3A, %scan3A_181 : i32
        scf.yield %select_n3A_201 : i32
      }
      %scan3A_136 = arith.constant 32 : i32
      %while3A_137 = arith.constant 0 : i32
      %while3A_138 = arith.subi %select_n3A_117, %while3A_137 : i32
      %while3A_139 = arith.addi %while3A_137, %while3A_138 : i32
      %while3A_140 = arith.constant 1 : i32
      %while3A_141 = arith.divsi %while3A_138, %while3A_140 : i32
      %while3A_142 = arith.muli %while3A_141, %while3A_140 : i32
      %while3A_143 = arith.addi %while3A_137, %while3A_142 : i32
      %while3A_144 = arith.constant 1 : i32
      %while3A_145:2 = scf.for %while3A_180 = %while3A_137 to %while3A_143 step %while3A_144 iter_args(%while3A_181 = %broadcast_in_dim3A_3, %while3A_182 = %broadcast_in_dim3A_3) -> (vector<16xi32>, vector<16xi32>)  : i32 {
        %mul3A_183 = arith.constant 16 : i32
        %mul3A_184 = arith.muli %while3A_180, %mul3A_183 : i32
        %get3A_185 = arith.index_cast %mul3A_184 : i32 to index
        %get3A_186 = tpu.vector_load %arg17[%get3A_185] {strides = array<i32>} : memref<544xi32, #tpu.memory_space<vmem>>, vector<16xi32>,
        %gt3A_187 = vector.broadcast %scan3A_135 : i32 to vector<16xi32>
        %gt3A_188 = arith.cmpi ugt, %get3A_186, %gt3A_187 : vector<16xi32>
        %jit3A_189 = arith.constant 1 : i32
        %jit3A_190 = arith.constant 0 : i32
        %broadcast_in_dim3A_191 = vector.broadcast %jit3A_189 : i32 to vector<16xi32>
        %broadcast_in_dim3A_192 = vector.broadcast %jit3A_190 : i32 to vector<16xi32>
        %select_n3A_193 = arith.select %gt3A_188, %broadcast_in_dim3A_191, %broadcast_in_dim3A_192 : vector<16xi1>, vector<16xi32>
        %add3A_194 = arith.addi %while3A_181, %select_n3A_193 : vector<16xi32>
        %eq3A = vector.broadcast %scan3A_135 : i32 to vector<16xi32>
        %eq3A_195 = arith.cmpi eq, %get3A_186, %eq3A : vector<16xi32>
        %jit3A_196 = arith.constant 1 : i32
        %jit3A_197 = arith.constant 0 : i32
        %broadcast_in_dim3A_198 = vector.broadcast %jit3A_196 : i32 to vector<16xi32>
        %broadcast_in_dim3A_199 = vector.broadcast %jit3A_197 : i32 to vector<16xi32>
        %select_n3A_200 = arith.select %eq3A_195, %broadcast_in_dim3A_198, %broadcast_in_dim3A_199 : vector<16xi1>, vector<16xi32>
        %add3A_201 = arith.addi %while3A_182, %select_n3A_200 : vector<16xi32>
        scf.yield %add3A_194, %add3A_201 : vector<16xi32>, vector<16xi32>
      }
      %while3A_146 = arith.constant 1 : i32
      %while3A_147:2 = scf.for %while3A_180 = %while3A_143 to %while3A_139 step %while3A_146 iter_args(%while3A_181 = %while3A_145#0, %while3A_182 = %while3A_145#1) -> (vector<16xi32>, vector<16xi32>)  : i32 {
        %mul3A_183 = arith.constant 16 : i32
        %mul3A_184 = arith.muli %while3A_180, %mul3A_183 : i32
        %get3A_185 = arith.index_cast %mul3A_184 : i32 to index
        %get3A_186 = tpu.vector_load %arg17[%get3A_185] {strides = array<i32>} : memref<544xi32, #tpu.memory_space<vmem>>, vector<16xi32>,
        %gt3A_187 = vector.broadcast %scan3A_135 : i32 to vector<16xi32>
        %gt3A_188 = arith.cmpi ugt, %get3A_186, %gt3A_187 : vector<16xi32>
        %jit3A_189 = arith.constant 1 : i32
        %jit3A_190 = arith.constant 0 : i32
        %broadcast_in_dim3A_191 = vector.broadcast %jit3A_189 : i32 to vector<16xi32>
        %broadcast_in_dim3A_192 = vector.broadcast %jit3A_190 : i32 to vector<16xi32>
        %select_n3A_193 = arith.select %gt3A_188, %broadcast_in_dim3A_191, %broadcast_in_dim3A_192 : vector<16xi1>, vector<16xi32>
        %add3A_194 = arith.addi %while3A_181, %select_n3A_193 : vector<16xi32>
        %eq3A = vector.broadcast %scan3A_135 : i32 to vector<16xi32>
        %eq3A_195 = arith.cmpi eq, %get3A_186, %eq3A : vector<16xi32>
        %jit3A_196 = arith.constant 1 : i32
        %jit3A_197 = arith.constant 0 : i32
        %broadcast_in_dim3A_198 = vector.broadcast %jit3A_196 : i32 to vector<16xi32>
        %broadcast_in_dim3A_199 = vector.broadcast %jit3A_197 : i32 to vector<16xi32>
        %select_n3A_200 = arith.select %eq3A_195, %broadcast_in_dim3A_198, %broadcast_in_dim3A_199 : vector<16xi1>, vector<16xi32>
        %add3A_201 = arith.addi %while3A_182, %select_n3A_200 : vector<16xi32>
        scf.yield %add3A_194, %add3A_201 : vector<16xi32>, vector<16xi32>
      }
      %reduce_sum3A = arith.constant true
      %reduce_sum3A_148 = vector.broadcast %reduce_sum3A : i1 to vector<16xi1>
      %reduce_sum3A_149 = tpu.scan <sum>, %while3A_147#0 masked %reduce_sum3A_148 : vector<16xi32>, vector<16xi1> -> vector<16xi32>
      %reduce_sum3A_150 = vector.extract %reduce_sum3A_149[15] : i32 from vector<16xi32>
      %reduce_sum3A_151 = arith.constant true
      %reduce_sum3A_152 = vector.broadcast %reduce_sum3A_151 : i1 to vector<16xi1>
      %reduce_sum3A_153 = tpu.scan <sum>, %while3A_147#1 masked %reduce_sum3A_152 : vector<16xi32>, vector<16xi1> -> vector<16xi32>
      %reduce_sum3A_154 = vector.extract %reduce_sum3A_153[15] : i32 from vector<16xi32>
      %sub3A_155 = arith.constant 100 : i32
      %sub3A_156 = arith.subi %sub3A_155, %reduce_sum3A_150 : i32
      %gt3A = arith.cmpi sgt, %reduce_sum3A_154, %sub3A_156 : i32
      %convert_element_type3A = arith.extui %gt3A : i1 to i32
      %cond3A = arith.constant 0 : i32
      %cond3A_157 = arith.cmpi ne, %convert_element_type3A, %cond3A : i32
      %cond3A_158 = scf.if %cond3A_157 -> (i32) {
        %scan3A_180 = arith.constant 0 : i32
        %scan3A_181 = arith.constant 17 : i32
        %scan3A_182 = arith.addi %scan3A_180, %scan3A_181 : i32
        %scan3A_183 = arith.constant 1 : i32
        %scan3A_184 = scf.for %scan3A_186 = %scan3A_180 to %scan3A_182 step %scan3A_183 iter_args(%scan3A_187 = %scan3A) -> (i32)  : i32 {
          %sub3A_188 = arith.constant 16 : i32
          %sub3A_189 = arith.subi %sub3A_188, %scan3A_186 : i32
          %shift_left3A = arith.constant 1 : i32
          %shift_left3A_190 = arith.shli %shift_left3A, %sub3A_189 : i32
          %or3A = arith.ori %scan3A_187, %shift_left3A_190 : i32
          %while3A_191 = arith.constant 0 : i32
          %while3A_192 = arith.subi %select_n3A_117, %while3A_191 : i32
          %while3A_193 = arith.addi %while3A_191, %while3A_192 : i32
          %while3A_194 = arith.constant 1 : i32
          %while3A_195 = arith.divsi %while3A_192, %while3A_194 : i32
          %while3A_196 = arith.muli %while3A_195, %while3A_194 : i32
          %while3A_197 = arith.addi %while3A_191, %while3A_196 : i32
          %while3A_198 = arith.constant 1 : i32
          %while3A_199 = scf.for %while3A_207 = %while3A_191 to %while3A_197 step %while3A_198 iter_args(%while3A_208 = %broadcast_in_dim3A_3) -> (vector<16xi32>)  : i32 {
            %mul3A_209 = arith.constant 16 : i32
            %mul3A_210 = arith.muli %while3A_207, %mul3A_209 : i32
            %get3A_211 = arith.index_cast %mul3A_210 : i32 to index
            %get3A_212 = tpu.vector_load %arg17[%get3A_211] {strides = array<i32>} : memref<544xi32, #tpu.memory_space<vmem>>, vector<16xi32>,
            %mul3A_213 = arith.constant 16 : i32
            %mul3A_214 = arith.muli %while3A_207, %mul3A_213 : i32
            %get3A_215 = arith.index_cast %mul3A_214 : i32 to index
            %get3A_216 = tpu.vector_load %arg16[%get3A_215] {strides = array<i32>} : memref<544xi32, #tpu.memory_space<vmem>>, vector<16xi32>,
            %eq3A = vector.broadcast %scan3A_135 : i32 to vector<16xi32>
            %eq3A_217 = arith.cmpi eq, %get3A_212, %eq3A : vector<16xi32>
            %lt3A_218 = vector.broadcast %or3A : i32 to vector<16xi32>
            %lt3A_219 = arith.cmpi slt, %get3A_216, %lt3A_218 : vector<16xi32>
            %and3A_220 = arith.andi %eq3A_217, %lt3A_219 : vector<16xi1>
            %jit3A_221 = arith.constant 1 : i32
            %jit3A_222 = arith.constant 0 : i32
            %broadcast_in_dim3A_223 = vector.broadcast %jit3A_221 : i32 to vector<16xi32>
            %broadcast_in_dim3A_224 = vector.broadcast %jit3A_222 : i32 to vector<16xi32>
            %select_n3A_225 = arith.select %and3A_220, %broadcast_in_dim3A_223, %broadcast_in_dim3A_224 : vector<16xi1>, vector<16xi32>
            %add3A_226 = arith.addi %while3A_208, %select_n3A_225 : vector<16xi32>
            scf.yield %add3A_226 : vector<16xi32>
          }
          %while3A_200 = arith.constant 1 : i32
          %while3A_201 = scf.for %while3A_207 = %while3A_197 to %while3A_193 step %while3A_200 iter_args(%while3A_208 = %while3A_199) -> (vector<16xi32>)  : i32 {
            %mul3A_209 = arith.constant 16 : i32
            %mul3A_210 = arith.muli %while3A_207, %mul3A_209 : i32
            %get3A_211 = arith.index_cast %mul3A_210 : i32 to index
            %get3A_212 = tpu.vector_load %arg17[%get3A_211] {strides = array<i32>} : memref<544xi32, #tpu.memory_space<vmem>>, vector<16xi32>,
            %mul3A_213 = arith.constant 16 : i32
            %mul3A_214 = arith.muli %while3A_207, %mul3A_213 : i32
            %get3A_215 = arith.index_cast %mul3A_214 : i32 to index
            %get3A_216 = tpu.vector_load %arg16[%get3A_215] {strides = array<i32>} : memref<544xi32, #tpu.memory_space<vmem>>, vector<16xi32>,
            %eq3A = vector.broadcast %scan3A_135 : i32 to vector<16xi32>
            %eq3A_217 = arith.cmpi eq, %get3A_212, %eq3A : vector<16xi32>
            %lt3A_218 = vector.broadcast %or3A : i32 to vector<16xi32>
            %lt3A_219 = arith.cmpi slt, %get3A_216, %lt3A_218 : vector<16xi32>
            %and3A_220 = arith.andi %eq3A_217, %lt3A_219 : vector<16xi1>
            %jit3A_221 = arith.constant 1 : i32
            %jit3A_222 = arith.constant 0 : i32
            %broadcast_in_dim3A_223 = vector.broadcast %jit3A_221 : i32 to vector<16xi32>
            %broadcast_in_dim3A_224 = vector.broadcast %jit3A_222 : i32 to vector<16xi32>
            %select_n3A_225 = arith.select %and3A_220, %broadcast_in_dim3A_223, %broadcast_in_dim3A_224 : vector<16xi1>, vector<16xi32>
            %add3A_226 = arith.addi %while3A_208, %select_n3A_225 : vector<16xi32>
            scf.yield %add3A_226 : vector<16xi32>
          }
          %reduce_sum3A_202 = arith.constant true
          %reduce_sum3A_203 = vector.broadcast %reduce_sum3A_202 : i1 to vector<16xi1>
          %reduce_sum3A_204 = tpu.scan <sum>, %while3A_201 masked %reduce_sum3A_203 : vector<16xi32>, vector<16xi1> -> vector<16xi32>
          %reduce_sum3A_205 = vector.extract %reduce_sum3A_204[15] : i32 from vector<16xi32>
          %lt3A = arith.cmpi slt, %reduce_sum3A_205, %sub3A_156 : i32
          %select_n3A_206 = arith.select %lt3A, %or3A, %scan3A_187 : i32
          scf.yield %select_n3A_206 : i32
        }
        %scan3A_185 = arith.constant 17 : i32
        scf.yield %scan3A_184 : i32
      } else {
        %cond3A_180 = arith.constant 65536 : i32
        scf.yield %cond3A_180 : i32
      }
      %scan3A_159 = arith.constant 0 : i32
      %scan3A_160 = arith.constant 0 : i32
      %scan3A_161 = arith.constant 8 : i32
      %scan3A_162 = arith.addi %scan3A_160, %scan3A_161 : i32
      %scan3A_163 = arith.constant 1 : i32
      %scan3A_164 = scf.for %scan3A_180 = %scan3A_160 to %scan3A_162 step %scan3A_163 iter_args(%scan3A_181 = %scan3A_159) -> (i32)  : i32 {
        %mul3A_182 = arith.constant 16 : i32
        %mul3A_183 = arith.muli %scan3A_180, %mul3A_182 : i32
        %swap3A = arith.index_cast %mul3A_183 : i32 to index
        %swap3A_184 = tpu.vector_load %arg18[%swap3A] {strides = array<i32>} : memref<128xf32, #tpu.memory_space<vmem>>, vector<16xf32>,
        tpu.vector_store %arg18[%swap3A], %broadcast_in_dim3A_5 {strides = array<i32>} : memref<128xf32, #tpu.memory_space<vmem>>, vector<16xf32>,
        %mul3A_185 = arith.constant 16 : i32
        %mul3A_186 = arith.muli %scan3A_180, %mul3A_185 : i32
        %swap3A_187 = arith.index_cast %mul3A_186 : i32 to index
        %swap3A_188 = tpu.vector_load %arg19[%swap3A_187] {strides = array<i32>} : memref<128xi32, #tpu.memory_space<vmem>>, vector<16xi32>,
        tpu.vector_store %arg19[%swap3A_187], %broadcast_in_dim3A_3 {strides = array<i32>} : memref<128xi32, #tpu.memory_space<vmem>>, vector<16xi32>,
        %scan3A_189 = arith.constant 0 : i32
        scf.yield %scan3A_189 : i32
      }
      %scan3A_165 = arith.constant 8 : i32
      %while3A_166 = arith.constant 0 : i32
      %while3A_167 = arith.subi %select_n3A_117, %while3A_166 : i32
      %while3A_168 = arith.addi %while3A_166, %while3A_167 : i32
      %while3A_169 = arith.constant 1 : i32
      %while3A_170 = arith.divsi %while3A_167, %while3A_169 : i32
      %while3A_171 = arith.muli %while3A_170, %while3A_169 : i32
      %while3A_172 = arith.addi %while3A_166, %while3A_171 : i32
      %while3A_173 = arith.constant 1 : i32
      %while3A_174 = scf.for %while3A_180 = %while3A_166 to %while3A_172 step %while3A_173 iter_args(%while3A_181 = %scan3A) -> (i32)  : i32 {
        %mul3A_182 = arith.constant 16 : i32
        %mul3A_183 = arith.muli %while3A_180, %mul3A_182 : i32
        %get3A_184 = arith.index_cast %mul3A_183 : i32 to index
        %get3A_185 = tpu.vector_load %arg17[%get3A_184] {strides = array<i32>} : memref<544xi32, #tpu.memory_space<vmem>>, vector<16xi32>,
        %mul3A_186 = arith.constant 16 : i32
        %mul3A_187 = arith.muli %while3A_180, %mul3A_186 : i32
        %get3A_188 = arith.index_cast %mul3A_187 : i32 to index
        %get3A_189 = tpu.vector_load %arg16[%get3A_188] {strides = array<i32>} : memref<544xi32, #tpu.memory_space<vmem>>, vector<16xi32>,
        %mul3A_190 = arith.constant 16 : i32
        %mul3A_191 = arith.muli %while3A_180, %mul3A_190 : i32
        %get3A_192 = arith.index_cast %mul3A_191 : i32 to index
        %get3A_193 = tpu.vector_load %arg15[%get3A_192] {strides = array<i32>} : memref<544xf32, #tpu.memory_space<vmem>>, vector<16xf32>,
        %gt3A_194 = vector.broadcast %scan3A_135 : i32 to vector<16xi32>
        %gt3A_195 = arith.cmpi ugt, %get3A_185, %gt3A_194 : vector<16xi32>
        %eq3A = vector.broadcast %scan3A_135 : i32 to vector<16xi32>
        %eq3A_196 = arith.cmpi eq, %get3A_185, %eq3A : vector<16xi32>
        %le3A = vector.broadcast %cond3A_158 : i32 to vector<16xi32>
        %le3A_197 = arith.cmpi sle, %get3A_189, %le3A : vector<16xi32>
        %and3A_198 = arith.andi %eq3A_196, %le3A_197 : vector<16xi1>
        %or3A = arith.ori %gt3A_195, %and3A_198 : vector<16xi1>
        %reduce_or3A = arith.constant 1.000000e+00 : f32
        %reduce_or3A_199 = arith.constant 0.000000e+00 : f32
        %reduce_or3A_200 = vector.broadcast %reduce_or3A : f32 to vector<16xf32>
        %reduce_or3A_201 = vector.broadcast %reduce_or3A_199 : f32 to vector<16xf32>
        %reduce_or3A_202 = arith.select %or3A, %reduce_or3A_200, %reduce_or3A_201 : vector<16xi1>, vector<16xf32>
        %reduce_or3A_203 = arith.constant true
        %reduce_or3A_204 = vector.broadcast %reduce_or3A_203 : i1 to vector<16xi1>
        %reduce_or3A_205 = tpu.scan <max>, %reduce_or3A_202 masked %reduce_or3A_204 : vector<16xf32>, vector<16xi1> -> vector<16xf32>
        %reduce_or3A_206 = vector.extract %reduce_or3A_205[15] : f32 from vector<16xf32>
        %reduce_or3A_207 = arith.constant 0.000000e+00 : f32
        %reduce_or3A_208 = arith.cmpf ogt, %reduce_or3A_206, %reduce_or3A_207 : f32
        %convert_element_type3A_209 = arith.extui %reduce_or3A_208 : i1 to i32
        %cond3A_210 = arith.constant 0 : i32
        %cond3A_211 = arith.cmpi ne, %convert_element_type3A_209, %cond3A_210 : i32
        %cond3A_212 = scf.if %cond3A_211 -> (i32) {
          %add3A_213 = arith.constant 16 : i32
          %add3A_214 = vector.broadcast %add3A_213 : i32 to vector<16xi32>
          %add3A_215 = arith.addi %iota3A, %add3A_214 : vector<16xi32>
          %select_n3A_216 = arith.select %or3A, %iota3A, %add3A_215 : vector<16xi1>, vector<16xi32>
          %masked_sort3A = arith.constant dense<true> : vector<16xi1>
          %masked_sort3A_217 = arith.constant -2147483648 : i32
          %masked_sort3A_218 = vector.broadcast %masked_sort3A_217 : i32 to vector<16xi32>
          %masked_sort3A_219 = arith.xori %select_n3A_216, %masked_sort3A_218 : vector<16xi32>
          %masked_sort3A_220, %masked_sort3A_221, %masked_sort3A_222 = tpu.sort %masked_sort3A_219, %get3A_193 masked %masked_sort3A : (vector<16xi32>, vector<16xf32>, vector<16xi1>) -> (vector<16xi1>, vector<16xi32>, vector<16xf32>)
          %masked_sort3A_223 = arith.xori %masked_sort3A_221, %masked_sort3A_218 : vector<16xi32>
          %masked_sort3A_224 = arith.constant dense<true> : vector<16xi1>
          %masked_sort3A_225 = arith.constant -2147483648 : i32
          %masked_sort3A_226 = vector.broadcast %masked_sort3A_225 : i32 to vector<16xi32>
          %masked_sort3A_227 = arith.xori %select_n3A_216, %masked_sort3A_226 : vector<16xi32>
          %masked_sort3A_228, %masked_sort3A_229, %masked_sort3A_230 = tpu.sort %masked_sort3A_227, %get3A_189 masked %masked_sort3A_224 : (vector<16xi32>, vector<16xi32>, vector<16xi1>) -> (vector<16xi1>, vector<16xi32>, vector<16xi32>)
          %masked_sort3A_231 = arith.xori %masked_sort3A_229, %masked_sort3A_226 : vector<16xi32>
          %swap3A = arith.index_cast %while3A_181 : i32 to index
          %swap3A_232 = tpu.vector_load %arg18[%swap3A] {strides = array<i32>} : memref<128xf32, #tpu.memory_space<vmem>>, vector<16xf32>,
          tpu.vector_store %arg18[%swap3A], %masked_sort3A_222 {strides = array<i32>} : memref<128xf32, #tpu.memory_space<vmem>>, vector<16xf32>,
          %swap3A_233 = arith.index_cast %while3A_181 : i32 to index
          %swap3A_234 = tpu.vector_load %arg19[%swap3A_233] {strides = array<i32>} : memref<128xi32, #tpu.memory_space<vmem>>, vector<16xi32>,
          tpu.vector_store %arg19[%swap3A_233], %masked_sort3A_230 {strides = array<i32>} : memref<128xi32, #tpu.memory_space<vmem>>, vector<16xi32>,
          %convert_element_type3A_235 = arith.extui %or3A : vector<16xi1> to vector<16xi32>
          %reduce_sum3A_236 = arith.constant true
          %reduce_sum3A_237 = vector.broadcast %reduce_sum3A_236 : i1 to vector<16xi1>
          %reduce_sum3A_238 = tpu.scan <sum>, %convert_element_type3A_235 masked %reduce_sum3A_237 : vector<16xi32>, vector<16xi1> -> vector<16xi32>
          %reduce_sum3A_239 = vector.extract %reduce_sum3A_238[15] : i32 from vector<16xi32>
          %add3A_240 = arith.addi %while3A_181, %reduce_sum3A_239 : i32
          %min3A = arith.constant 112 : i32
          %min3A_241 = arith.minsi %add3A_240, %min3A : i32
          scf.yield %min3A_241 : i32
        } else {
          scf.yield %while3A_181 : i32
        }
        scf.yield %cond3A_212 : i32
      }
      %while3A_175 = arith.constant 1 : i32
      %while3A_176 = scf.for %while3A_180 = %while3A_172 to %while3A_168 step %while3A_175 iter_args(%while3A_181 = %while3A_174) -> (i32)  : i32 {
        %mul3A_182 = arith.constant 16 : i32
        %mul3A_183 = arith.muli %while3A_180, %mul3A_182 : i32
        %get3A_184 = arith.index_cast %mul3A_183 : i32 to index
        %get3A_185 = tpu.vector_load %arg17[%get3A_184] {strides = array<i32>} : memref<544xi32, #tpu.memory_space<vmem>>, vector<16xi32>,
        %mul3A_186 = arith.constant 16 : i32
        %mul3A_187 = arith.muli %while3A_180, %mul3A_186 : i32
        %get3A_188 = arith.index_cast %mul3A_187 : i32 to index
        %get3A_189 = tpu.vector_load %arg16[%get3A_188] {strides = array<i32>} : memref<544xi32, #tpu.memory_space<vmem>>, vector<16xi32>,
        %mul3A_190 = arith.constant 16 : i32
        %mul3A_191 = arith.muli %while3A_180, %mul3A_190 : i32
        %get3A_192 = arith.index_cast %mul3A_191 : i32 to index
        %get3A_193 = tpu.vector_load %arg15[%get3A_192] {strides = array<i32>} : memref<544xf32, #tpu.memory_space<vmem>>, vector<16xf32>,
        %gt3A_194 = vector.broadcast %scan3A_135 : i32 to vector<16xi32>
        %gt3A_195 = arith.cmpi ugt, %get3A_185, %gt3A_194 : vector<16xi32>
        %eq3A = vector.broadcast %scan3A_135 : i32 to vector<16xi32>
        %eq3A_196 = arith.cmpi eq, %get3A_185, %eq3A : vector<16xi32>
        %le3A = vector.broadcast %cond3A_158 : i32 to vector<16xi32>
        %le3A_197 = arith.cmpi sle, %get3A_189, %le3A : vector<16xi32>
        %and3A_198 = arith.andi %eq3A_196, %le3A_197 : vector<16xi1>
        %or3A = arith.ori %gt3A_195, %and3A_198 : vector<16xi1>
        %reduce_or3A = arith.constant 1.000000e+00 : f32
        %reduce_or3A_199 = arith.constant 0.000000e+00 : f32
        %reduce_or3A_200 = vector.broadcast %reduce_or3A : f32 to vector<16xf32>
        %reduce_or3A_201 = vector.broadcast %reduce_or3A_199 : f32 to vector<16xf32>
        %reduce_or3A_202 = arith.select %or3A, %reduce_or3A_200, %reduce_or3A_201 : vector<16xi1>, vector<16xf32>
        %reduce_or3A_203 = arith.constant true
        %reduce_or3A_204 = vector.broadcast %reduce_or3A_203 : i1 to vector<16xi1>
        %reduce_or3A_205 = tpu.scan <max>, %reduce_or3A_202 masked %reduce_or3A_204 : vector<16xf32>, vector<16xi1> -> vector<16xf32>
        %reduce_or3A_206 = vector.extract %reduce_or3A_205[15] : f32 from vector<16xf32>
        %reduce_or3A_207 = arith.constant 0.000000e+00 : f32
        %reduce_or3A_208 = arith.cmpf ogt, %reduce_or3A_206, %reduce_or3A_207 : f32
        %convert_element_type3A_209 = arith.extui %reduce_or3A_208 : i1 to i32
        %cond3A_210 = arith.constant 0 : i32
        %cond3A_211 = arith.cmpi ne, %convert_element_type3A_209, %cond3A_210 : i32
        %cond3A_212 = scf.if %cond3A_211 -> (i32) {
          %add3A_213 = arith.constant 16 : i32
          %add3A_214 = vector.broadcast %add3A_213 : i32 to vector<16xi32>
          %add3A_215 = arith.addi %iota3A, %add3A_214 : vector<16xi32>
          %select_n3A_216 = arith.select %or3A, %iota3A, %add3A_215 : vector<16xi1>, vector<16xi32>
          %masked_sort3A = arith.constant dense<true> : vector<16xi1>
          %masked_sort3A_217 = arith.constant -2147483648 : i32
          %masked_sort3A_218 = vector.broadcast %masked_sort3A_217 : i32 to vector<16xi32>
          %masked_sort3A_219 = arith.xori %select_n3A_216, %masked_sort3A_218 : vector<16xi32>
          %masked_sort3A_220, %masked_sort3A_221, %masked_sort3A_222 = tpu.sort %masked_sort3A_219, %get3A_193 masked %masked_sort3A : (vector<16xi32>, vector<16xf32>, vector<16xi1>) -> (vector<16xi1>, vector<16xi32>, vector<16xf32>)
          %masked_sort3A_223 = arith.xori %masked_sort3A_221, %masked_sort3A_218 : vector<16xi32>
          %masked_sort3A_224 = arith.constant dense<true> : vector<16xi1>
          %masked_sort3A_225 = arith.constant -2147483648 : i32
          %masked_sort3A_226 = vector.broadcast %masked_sort3A_225 : i32 to vector<16xi32>
          %masked_sort3A_227 = arith.xori %select_n3A_216, %masked_sort3A_226 : vector<16xi32>
          %masked_sort3A_228, %masked_sort3A_229, %masked_sort3A_230 = tpu.sort %masked_sort3A_227, %get3A_189 masked %masked_sort3A_224 : (vector<16xi32>, vector<16xi32>, vector<16xi1>) -> (vector<16xi1>, vector<16xi32>, vector<16xi32>)
          %masked_sort3A_231 = arith.xori %masked_sort3A_229, %masked_sort3A_226 : vector<16xi32>
          %swap3A = arith.index_cast %while3A_181 : i32 to index
          %swap3A_232 = tpu.vector_load %arg18[%swap3A] {strides = array<i32>} : memref<128xf32, #tpu.memory_space<vmem>>, vector<16xf32>,
          tpu.vector_store %arg18[%swap3A], %masked_sort3A_222 {strides = array<i32>} : memref<128xf32, #tpu.memory_space<vmem>>, vector<16xf32>,
          %swap3A_233 = arith.index_cast %while3A_181 : i32 to index
          %swap3A_234 = tpu.vector_load %arg19[%swap3A_233] {strides = array<i32>} : memref<128xi32, #tpu.memory_space<vmem>>, vector<16xi32>,
          tpu.vector_store %arg19[%swap3A_233], %masked_sort3A_230 {strides = array<i32>} : memref<128xi32, #tpu.memory_space<vmem>>, vector<16xi32>,
          %convert_element_type3A_235 = arith.extui %or3A : vector<16xi1> to vector<16xi32>
          %reduce_sum3A_236 = arith.constant true
          %reduce_sum3A_237 = vector.broadcast %reduce_sum3A_236 : i1 to vector<16xi1>
          %reduce_sum3A_238 = tpu.scan <sum>, %convert_element_type3A_235 masked %reduce_sum3A_237 : vector<16xi32>, vector<16xi1> -> vector<16xi32>
          %reduce_sum3A_239 = vector.extract %reduce_sum3A_238[15] : i32 from vector<16xi32>
          %add3A_240 = arith.addi %while3A_181, %reduce_sum3A_239 : i32
          %min3A = arith.constant 112 : i32
          %min3A_241 = arith.minsi %add3A_240, %min3A : i32
          scf.yield %min3A_241 : i32
        } else {
          scf.yield %while3A_181 : i32
        }
        scf.yield %cond3A_212 : i32
      }
      %dma_start3A = arith.constant 0 : i32
      %dma_start3A_177 = tpu.memref_slice %arg6[%dma_start3A] : memref<65536xi32, #tpu.memory_space<hbm>> -> memref<65536xi32, #tpu.memory_space<hbm>>
      tpu.enqueue_indirect_dma source(%dma_start3A_177 : memref<65536xi32, #tpu.memory_space<hbm>>) target(%arg20 : memref<128xi32, #tpu.memory_space<vmem>>) offsets(%arg19 : memref<128xi32, #tpu.memory_space<vmem>>) semaphore(%arg23 : memref<!tpu.dma_semaphore, #tpu.memory_space<semaphore_mem>>)
      %dma_wait3A = arith.constant 0 : i32
      %dma_wait3A_178 = tpu.memref_slice %arg6[%dma_wait3A] : memref<65536xi32, #tpu.memory_space<hbm>> -> memref<65536xi32, #tpu.memory_space<hbm>>
      tpu.wait_indirect_dma semaphore(%arg23 : memref<!tpu.dma_semaphore, #tpu.memory_space<semaphore_mem>>) src(%dma_wait3A_178 : memref<65536xi32, #tpu.memory_space<hbm>>) dst(%arg20 : memref<128xi32, #tpu.memory_space<vmem>>)
      "tpu.region"() ({
        %run_scoped3A = tpu.sem_alloc : memref<!tpu.dma_semaphore, #tpu.memory_space<semaphore_mem>>
        %dma_start3A_180 = arith.constant 0 : i32
        %dma_start3A_181 = tpu.memref_slice %arg7[%add3A_17, %dma_start3A_180] : memref<1024x128xf32, #tpu.memory_space<hbm>> -> memref<1x128xf32, #tpu.memory_space<hbm>>
        %dma_start3A_182 = tpu.memref_squeeze %dma_start3A_181 : memref<1x128xf32, #tpu.memory_space<hbm>> -> memref<128xf32, #tpu.memory_space<hbm>>
        %dma_start3A_183 = arith.constant 0 : i32
        %dma_start3A_184 = tpu.memref_slice %arg7[%add3A_17, %dma_start3A_183] : memref<1024x128xf32, #tpu.memory_space<hbm>> -> memref<1x128xf32, #tpu.memory_space<hbm>>
        %dma_start3A_185 = tpu.memref_squeeze %dma_start3A_184 : memref<1x128xf32, #tpu.memory_space<hbm>> -> memref<128xf32, #tpu.memory_space<hbm>>
        tpu.enqueue_dma source(%arg18 : memref<128xf32, #tpu.memory_space<vmem>>) target(%dma_start3A_185 : memref<128xf32, #tpu.memory_space<hbm>>) target_semaphore(%run_scoped3A : memref<!tpu.dma_semaphore, #tpu.memory_space<semaphore_mem>>)
        %dma_wait3A_186 = arith.constant 0 : i32
        %dma_wait3A_187 = tpu.memref_slice %arg7[%add3A_17, %dma_wait3A_186] : memref<1024x128xf32, #tpu.memory_space<hbm>> -> memref<1x128xf32, #tpu.memory_space<hbm>>
        %dma_wait3A_188 = tpu.memref_squeeze %dma_wait3A_187 : memref<1x128xf32, #tpu.memory_space<hbm>> -> memref<128xf32, #tpu.memory_space<hbm>>
        %dma_wait3A_189 = arith.constant 0 : i32
        %dma_wait3A_190 = tpu.memref_slice %arg7[%add3A_17, %dma_wait3A_189] : memref<1024x128xf32, #tpu.memory_space<hbm>> -> memref<1x128xf32, #tpu.memory_space<hbm>>
        %dma_wait3A_191 = tpu.memref_squeeze %dma_wait3A_190 : memref<1x128xf32, #tpu.memory_space<hbm>> -> memref<128xf32, #tpu.memory_space<hbm>>
        tpu.wait_dma2 semaphore(%run_scoped3A : memref<!tpu.dma_semaphore, #tpu.memory_space<semaphore_mem>>) src(%arg18 : memref<128xf32, #tpu.memory_space<vmem>>) dst(%dma_wait3A_191 : memref<128xf32, #tpu.memory_space<hbm>>)
        tpu.yield
      }) : () -> ()
      "tpu.region"() ({
        %run_scoped3A = tpu.sem_alloc : memref<!tpu.dma_semaphore, #tpu.memory_space<semaphore_mem>>
        %dma_start3A_180 = arith.constant 0 : i32
        %dma_start3A_181 = tpu.memref_slice %arg8[%add3A_17, %dma_start3A_180] : memref<1024x128xi32, #tpu.memory_space<hbm>> -> memref<1x128xi32, #tpu.memory_space<hbm>>
        %dma_start3A_182 = tpu.memref_squeeze %dma_start3A_181 : memref<1x128xi32, #tpu.memory_space<hbm>> -> memref<128xi32, #tpu.memory_space<hbm>>
        %dma_start3A_183 = arith.constant 0 : i32
        %dma_start3A_184 = tpu.memref_slice %arg8[%add3A_17, %dma_start3A_183] : memref<1024x128xi32, #tpu.memory_space<hbm>> -> memref<1x128xi32, #tpu.memory_space<hbm>>
        %dma_start3A_185 = tpu.memref_squeeze %dma_start3A_184 : memref<1x128xi32, #tpu.memory_space<hbm>> -> memref<128xi32, #tpu.memory_space<hbm>>
        tpu.enqueue_dma source(%arg20 : memref<128xi32, #tpu.memory_space<vmem>>) target(%dma_start3A_185 : memref<128xi32, #tpu.memory_space<hbm>>) target_semaphore(%run_scoped3A : memref<!tpu.dma_semaphore, #tpu.memory_space<semaphore_mem>>)
        %dma_wait3A_186 = arith.constant 0 : i32
        %dma_wait3A_187 = tpu.memref_slice %arg8[%add3A_17, %dma_wait3A_186] : memref<1024x128xi32, #tpu.memory_space<hbm>> -> memref<1x128xi32, #tpu.memory_space<hbm>>
        %dma_wait3A_188 = tpu.memref_squeeze %dma_wait3A_187 : memref<1x128xi32, #tpu.memory_space<hbm>> -> memref<128xi32, #tpu.memory_space<hbm>>
        %dma_wait3A_189 = arith.constant 0 : i32
        %dma_wait3A_190 = tpu.memref_slice %arg8[%add3A_17, %dma_wait3A_189] : memref<1024x128xi32, #tpu.memory_space<hbm>> -> memref<1x128xi32, #tpu.memory_space<hbm>>
        %dma_wait3A_191 = tpu.memref_squeeze %dma_wait3A_190 : memref<1x128xi32, #tpu.memory_space<hbm>> -> memref<128xi32, #tpu.memory_space<hbm>>
        tpu.wait_dma2 semaphore(%run_scoped3A : memref<!tpu.dma_semaphore, #tpu.memory_space<semaphore_mem>>) src(%arg20 : memref<128xi32, #tpu.memory_space<vmem>>) dst(%dma_wait3A_191 : memref<128xi32, #tpu.memory_space<hbm>>)
        tpu.yield
      }) : () -> ()
      %scan3A_179 = arith.constant 0 : i32
      scf.yield %scan3A_179 : i32
    }
    %scan3A_14 = arith.constant 32 : i32
    return
  }
}

module attributes {stable_mosaic.version = 14 : i64} {
  func.func @_k1_body(%arg0: i32, %arg1: memref<1xi32, #tpu.memory_space<smem>>, %arg2: memref<1024x512xf32, #tpu.memory_space<vmem>>, %arg3: memref<1024x512xf32, #tpu.memory_space<vmem>>, %arg4: memref<1024x8x128xf32, #tpu.memory_space<vmem>>, %arg5: memref<1024x16xf32, #tpu.memory_space<vmem>>, %arg6: memref<1024x512xf32, #tpu.memory_space<vmem>>, %arg7: memref<1024x128xf32, #tpu.memory_space<vmem>>) attributes {dimension_semantics = [#tpu.dimension_semantics<arbitrary>], iteration_bounds = array<i64: 64>, scalar_prefetch = 1 : i64, scratch_operands = 1 : i64, tpu.core_type = #tpu.core_type<tc>, window_params = [{pipeline_mode = #tpu.pipeline_mode<synchronous>, transform_indices = @transform_0, window_bounds = array<i64: 1024, 512>}, {transform_indices = @transform_1, window_bounds = array<i64: 1024, 512>}, {transform_indices = @transform_2, window_bounds = array<i64: 1024, 8, 128>}, {pipeline_mode = #tpu.pipeline_mode<synchronous>, transform_indices = @transform_3, window_bounds = array<i64: 1024, 16>}, {transform_indices = @transform_4, window_bounds = array<i64: 1024, 512>}]} {
    %get3A = arith.constant 0 : index
    %get3A_0 = arith.constant 0 : index
    %get3A_1 = vector.load %arg2[%get3A, %get3A_0] : memref<1024x512xf32, #tpu.memory_space<vmem>>, vector<1024x512xf32>
    %get3A_2 = arith.constant 0 : index
    %get3A_3 = arith.constant 0 : index
    %get3A_4 = vector.load %arg3[%get3A_2, %get3A_3] : memref<1024x512xf32, #tpu.memory_space<vmem>>, vector<1024x512xf32>
    %dot_general3A = arith.constant dense<0.000000e+00> : vector<1024x1024xf32>
    %dot_general3A_5 = tpu.matmul %get3A_1, %get3A_4, %dot_general3A {dimension_numbers = #tpu.dot_dimension_numbers<[1], [1], [0], [0], [0, 0, 1, 0], [], []>, transpose_lhs_hint = false} : vector<1024x512xf32>, vector<1024x512xf32>, vector<1024x1024xf32> -> vector<1024x1024xf32>
    %reshape3A = vector.shape_cast %dot_general3A_5 : vector<1024x1024xf32> to vector<1024x8x128xf32>
    %swap3A = arith.constant 0 : index
    %swap3A_6 = arith.constant 0 : index
    %swap3A_7 = arith.constant 0 : index
    %swap3A_8 = vector.load %arg4[%swap3A, %swap3A_6, %swap3A_7] : memref<1024x8x128xf32, #tpu.memory_space<vmem>>, vector<1024x8x128xf32>
    tpu.vector_store %arg4[%swap3A, %swap3A_6, %swap3A_7], %reshape3A {strides = array<i32>} : memref<1024x8x128xf32, #tpu.memory_space<vmem>>, vector<1024x8x128xf32>,
    %reshape3A_9 = vector.shape_cast %dot_general3A_5 : vector<1024x1024xf32> to vector<1024x2x512xf32>
    %reduce_max3A = arith.constant dense<0xFF800000> : vector<1024x2xf32>
    %reduce_max3A_10 = vector.multi_reduction <maximumf>, %reshape3A_9, %reduce_max3A [2] : vector<1024x2x512xf32> to vector<1024x2xf32>
    %iota3A = tpu.iota {dimensions = array<i32: 1>} : vector<1024x128xi32>
    %mul3A = arith.constant 2 : i32
    %mul3A_11 = arith.muli %mul3A, %arg0 : i32
    %eq3A = vector.broadcast %mul3A_11 : i32 to vector<1024x128xi32>
    %eq3A_12 = arith.cmpi eq, %iota3A, %eq3A : vector<1024x128xi32>
    %slice3A = vector.extract_strided_slice %reduce_max3A_10 {offsets = [0, 0], sizes = [1024, 1], strides = [1, 1]} : vector<1024x2xf32> to vector<1024x1xf32>
    %mul3A_13 = arith.constant 2 : i32
    %mul3A_14 = arith.muli %mul3A_13, %arg0 : i32
    %add3A = arith.constant 1 : i32
    %add3A_15 = arith.addi %mul3A_14, %add3A : i32
    %eq3A_16 = vector.broadcast %add3A_15 : i32 to vector<1024x128xi32>
    %eq3A_17 = arith.cmpi eq, %iota3A, %eq3A_16 : vector<1024x128xi32>
    %slice3A_18 = vector.extract_strided_slice %reduce_max3A_10 {offsets = [0, 1], sizes = [1024, 1], strides = [1, 1]} : vector<1024x2xf32> to vector<1024x1xf32>
    %get3A_19 = arith.constant 0 : index
    %get3A_20 = arith.constant 0 : index
    %get3A_21 = vector.load %arg7[%get3A_19, %get3A_20] : memref<1024x128xf32, #tpu.memory_space<vmem>>, vector<1024x128xf32>
    %broadcast_in_dim3A = vector.shape_cast %slice3A_18 : vector<1024x1xf32> to vector<1024x1xf32>
    %broadcast_in_dim3A_22 = vector.broadcast %broadcast_in_dim3A : vector<1024x1xf32> to vector<1024x128xf32>
    %select_n3A = arith.select %eq3A_17, %broadcast_in_dim3A_22, %get3A_21 : vector<1024x128xi1>, vector<1024x128xf32>
    %broadcast_in_dim3A_23 = vector.shape_cast %slice3A : vector<1024x1xf32> to vector<1024x1xf32>
    %broadcast_in_dim3A_24 = vector.broadcast %broadcast_in_dim3A_23 : vector<1024x1xf32> to vector<1024x128xf32>
    %select_n3A_25 = arith.select %eq3A_12, %broadcast_in_dim3A_24, %select_n3A : vector<1024x128xi1>, vector<1024x128xf32>
    %swap3A_26 = arith.constant 0 : index
    %swap3A_27 = arith.constant 0 : index
    %swap3A_28 = vector.load %arg7[%swap3A_26, %swap3A_27] : memref<1024x128xf32, #tpu.memory_space<vmem>>, vector<1024x128xf32>
    tpu.vector_store %arg7[%swap3A_26, %swap3A_27], %select_n3A_25 {strides = array<i32>} : memref<1024x128xf32, #tpu.memory_space<vmem>>, vector<1024x128xf32>,
    %get3A_29 = arith.constant 0 : index
    %get3A_30 = arith.constant 0 : index
    %get3A_31 = vector.load %arg3[%get3A_29, %get3A_30] : memref<1024x512xf32, #tpu.memory_space<vmem>>, vector<1024x512xf32>
    %swap3A_32 = arith.constant 0 : index
    %swap3A_33 = arith.constant 0 : index
    %swap3A_34 = vector.load %arg6[%swap3A_32, %swap3A_33] : memref<1024x512xf32, #tpu.memory_space<vmem>>, vector<1024x512xf32>
    tpu.vector_store %arg6[%swap3A_32, %swap3A_33], %get3A_31 {strides = array<i32>} : memref<1024x512xf32, #tpu.memory_space<vmem>>, vector<1024x512xf32>,
    %get3A_35 = arith.constant 0 : index
    %get3A_36 = memref.load %arg1[%get3A_35] : memref<1xi32, #tpu.memory_space<smem>>
    %eq3A_37 = arith.cmpi eq, %arg0, %get3A_36 : i32
    %convert_element_type3A = arith.extui %eq3A_37 : i1 to i32
    %cond3A = arith.constant 0 : i32
    %cond3A_38 = arith.cmpi ne, %convert_element_type3A, %cond3A : i32
    scf.if %cond3A_38 {
      %get3A_44 = arith.constant 0 : index
      %get3A_45 = arith.constant 0 : index
      %get3A_46 = vector.load %arg2[%get3A_44, %get3A_45] : memref<1024x512xf32, #tpu.memory_space<vmem>>, vector<1024x512xf32>
      %swap3A_47 = arith.constant 0 : index
      %swap3A_48 = arith.constant 0 : index
      %swap3A_49 = vector.load %arg6[%swap3A_47, %swap3A_48] : memref<1024x512xf32, #tpu.memory_space<vmem>>, vector<1024x512xf32>
      tpu.vector_store %arg6[%swap3A_47, %swap3A_48], %get3A_46 {strides = array<i32>} : memref<1024x512xf32, #tpu.memory_space<vmem>>, vector<1024x512xf32>,
    } else {
    }
    %eq3A_39 = arith.constant 63 : i32
    %eq3A_40 = arith.cmpi eq, %arg0, %eq3A_39 : i32
    %convert_element_type3A_41 = arith.extui %eq3A_40 : i1 to i32
    %cond3A_42 = arith.constant 0 : i32
    %cond3A_43 = arith.cmpi ne, %convert_element_type3A_41, %cond3A_42 : i32
    scf.if %cond3A_43 {
      %get3A_44 = arith.constant 0 : index
      %get3A_45 = arith.constant 0 : index
      %get3A_46 = vector.load %arg7[%get3A_44, %get3A_45] : memref<1024x128xf32, #tpu.memory_space<vmem>>, vector<1024x128xf32>
      %bitcast_convert_type3A = tpu.bitcast %get3A_46 : vector<1024x128xf32> -> vector<1024x128xi32>
      %shift_right_logical3A = arith.constant 31 : i32
      %shift_right_logical3A_47 = vector.broadcast %shift_right_logical3A : i32 to vector<1024x128xi32>
      %shift_right_logical3A_48 = arith.shrui %bitcast_convert_type3A, %shift_right_logical3A_47 : vector<1024x128xi32>
      %eq3A_49 = arith.constant 0 : i32
      %eq3A_50 = vector.broadcast %eq3A_49 : i32 to vector<1024x128xi32>
      %eq3A_51 = arith.cmpi eq, %shift_right_logical3A_48, %eq3A_50 : vector<1024x128xi32>
      %or3A = arith.constant -2147483648 : i32
      %or3A_52 = vector.broadcast %or3A : i32 to vector<1024x128xi32>
      %or3A_53 = arith.ori %bitcast_convert_type3A, %or3A_52 : vector<1024x128xi32>
      %not3A = arith.constant dense<-1> : vector<1024x128xi32>
      %not3A_54 = arith.xori %bitcast_convert_type3A, %not3A : vector<1024x128xi32>
      %select_n3A_55 = arith.select %eq3A_51, %or3A_53, %not3A_54 : vector<1024x128xi1>, vector<1024x128xi32>
      %broadcast_in_dim3A_56 = arith.constant 0 : i32
      %broadcast_in_dim3A_57 = vector.broadcast %broadcast_in_dim3A_56 : i32 to vector<1024x1xi32>
      %scan3A = arith.constant 0 : i32
      %scan3A_58 = arith.constant 32 : i32
      %scan3A_59 = arith.addi %scan3A, %scan3A_58 : i32
      %scan3A_60 = arith.constant 1 : i32
      %scan3A_61 = scf.for %scan3A_79 = %scan3A to %scan3A_59 step %scan3A_60 iter_args(%scan3A_80 = %broadcast_in_dim3A_57) -> (vector<1024x1xi32>)  : i32 {
        %sub3A = arith.constant 31 : i32
        %sub3A_81 = arith.subi %sub3A, %scan3A_79 : i32
        %shift_left3A = arith.constant 1 : i32
        %shift_left3A_82 = arith.shli %shift_left3A, %sub3A_81 : i32
        %or3A_83 = vector.broadcast %shift_left3A_82 : i32 to vector<1024x1xi32>
        %or3A_84 = arith.ori %scan3A_80, %or3A_83 : vector<1024x1xi32>
        %ge3A = vector.broadcast %or3A_84 : vector<1024x1xi32> to vector<1024x128xi32>
        %ge3A_85 = arith.cmpi uge, %select_n3A_55, %ge3A : vector<1024x128xi32>
        %convert_element_type3A_86 = arith.extui %ge3A_85 : vector<1024x128xi1> to vector<1024x128xi32>
        %reduce_sum3A = arith.constant dense<0> : vector<1024xi32>
        %reduce_sum3A_87 = vector.multi_reduction <add>, %convert_element_type3A_86, %reduce_sum3A [1] : vector<1024x128xi32> to vector<1024xi32>
        %broadcast_in_dim3A_88 = vector.shape_cast %reduce_sum3A_87 : vector<1024xi32> to vector<1024x1xi32>
        %ge3A_89 = arith.constant 100 : i32
        %ge3A_90 = vector.broadcast %ge3A_89 : i32 to vector<1024x1xi32>
        %ge3A_91 = arith.cmpi sge, %broadcast_in_dim3A_88, %ge3A_90 : vector<1024x1xi32>
        %select_n3A_92 = arith.select %ge3A_91, %or3A_84, %scan3A_80 : vector<1024x1xi1>, vector<1024x1xi32>
        scf.yield %select_n3A_92 : vector<1024x1xi32>
      }
      %scan3A_62 = arith.constant 32 : i32
      %shift_right_logical3A_63 = arith.constant 31 : i32
      %shift_right_logical3A_64 = vector.broadcast %shift_right_logical3A_63 : i32 to vector<1024x1xi32>
      %shift_right_logical3A_65 = arith.shrui %scan3A_61, %shift_right_logical3A_64 : vector<1024x1xi32>
      %ne3A = arith.constant 0 : i32
      %ne3A_66 = vector.broadcast %ne3A : i32 to vector<1024x1xi32>
      %ne3A_67 = arith.cmpi ne, %shift_right_logical3A_65, %ne3A_66 : vector<1024x1xi32>
      %xor3A = arith.constant -2147483648 : i32
      %xor3A_68 = vector.broadcast %xor3A : i32 to vector<1024x1xi32>
      %xor3A_69 = arith.xori %scan3A_61, %xor3A_68 : vector<1024x1xi32>
      %not3A_70 = arith.constant dense<-1> : vector<1024x1xi32>
      %not3A_71 = arith.xori %scan3A_61, %not3A_70 : vector<1024x1xi32>
      %select_n3A_72 = arith.select %ne3A_67, %xor3A_69, %not3A_71 : vector<1024x1xi1>, vector<1024x1xi32>
      %bitcast_convert_type3A_73 = tpu.bitcast %select_n3A_72 : vector<1024x1xi32> -> vector<1024x1xf32>
      %broadcast_in_dim3A_74 = vector.shape_cast %bitcast_convert_type3A_73 : vector<1024x1xf32> to vector<1024x1xf32>
      %broadcast_in_dim3A_75 = vector.broadcast %broadcast_in_dim3A_74 : vector<1024x1xf32> to vector<1024x16xf32>
      %swap3A_76 = arith.constant 0 : index
      %swap3A_77 = arith.constant 0 : index
      %swap3A_78 = vector.load %arg5[%swap3A_76, %swap3A_77] : memref<1024x16xf32, #tpu.memory_space<vmem>>, vector<1024x16xf32>
      tpu.vector_store %arg5[%swap3A_76, %swap3A_77], %broadcast_in_dim3A_75 {strides = array<i32>} : memref<1024x16xf32, #tpu.memory_space<vmem>>, vector<1024x16xf32>,
    } else {
    }
    return
  }
  func.func @transform_0(%arg0: i32, %arg1: memref<1xi32, #tpu.memory_space<smem>>) -> (i32, i32) {
    %c0_i32 = arith.constant 0 : i32
    %c0_i32_0 = arith.constant 0 : i32
    %c0_i32_1 = arith.constant 0 : i32
    return %c0_i32, %c0_i32_0 : i32, i32
  }
  func.func @transform_1(%arg0: i32, %arg1: memref<1xi32, #tpu.memory_space<smem>>) -> (i32, i32) {
    %c0_i32 = arith.constant 0 : i32
    %c0_i32_0 = arith.constant 0 : i32
    return %arg0, %c0_i32 : i32, i32
  }
  func.func @transform_2(%arg0: i32, %arg1: memref<1xi32, #tpu.memory_space<smem>>) -> (i32, i32, i32) {
    %c0_i32 = arith.constant 0 : i32
    %c0_i32_0 = arith.constant 0 : i32
    %c0_i32_1 = arith.constant 0 : i32
    return %c0_i32, %arg0, %c0_i32_0 : i32, i32, i32
  }
  func.func @transform_3(%arg0: i32, %arg1: memref<1xi32, #tpu.memory_space<smem>>) -> (i32, i32) {
    %c0_i32 = arith.constant 0 : i32
    %c0_i32_0 = arith.constant 0 : i32
    %c0_i32_1 = arith.constant 0 : i32
    return %c0_i32, %c0_i32_0 : i32, i32
  }
  func.func @transform_4(%arg0: i32, %arg1: memref<1xi32, #tpu.memory_space<smem>>) -> (i32, i32) {
    %c0_i32 = arith.constant 0 : i32
    %c0_i32_0 = arith.constant 0 : i32
    return %arg0, %c0_i32 : i32, i32
  }
}

module attributes {stable_mosaic.version = 14 : i64} {
  func.func @_k1b_body(%arg0: i32, %arg1: memref<32x512x128xf32, #tpu.memory_space<vmem>>, %arg2: memref<32x512xf32, #tpu.memory_space<vmem>>) attributes {dimension_semantics = [#tpu.dimension_semantics<arbitrary>], iteration_bounds = array<i64: 32>, scalar_prefetch = 0 : i64, scratch_operands = 0 : i64, tpu.core_type = #tpu.core_type<tc>, window_params = [{transform_indices = @transform_0, window_bounds = array<i64: 32, 512, 128>}, {transform_indices = @transform_1, window_bounds = array<i64: 32, 512>}]} {
    %get3A = arith.constant 0 : index
    %get3A_0 = arith.constant 0 : index
    %get3A_1 = arith.constant 0 : index
    %get3A_2 = vector.load %arg1[%get3A, %get3A_0, %get3A_1] : memref<32x512x128xf32, #tpu.memory_space<vmem>>, vector<32x512x128xf32>
    %reduce_max3A = arith.constant dense<0xFF800000> : vector<32x512xf32>
    %reduce_max3A_3 = vector.multi_reduction <maximumf>, %get3A_2, %reduce_max3A [2] : vector<32x512x128xf32> to vector<32x512xf32>
    %swap3A = arith.constant 0 : index
    %swap3A_4 = arith.constant 0 : index
    %swap3A_5 = vector.load %arg2[%swap3A, %swap3A_4] : memref<32x512xf32, #tpu.memory_space<vmem>>, vector<32x512xf32>
    tpu.vector_store %arg2[%swap3A, %swap3A_4], %reduce_max3A_3 {strides = array<i32>} : memref<32x512xf32, #tpu.memory_space<vmem>>, vector<32x512xf32>,
    return
  }
  func.func @transform_0(%arg0: i32) -> (i32, i32, i32) {
    %c0_i32 = arith.constant 0 : i32
    %c0_i32_0 = arith.constant 0 : i32
    %c0_i32_1 = arith.constant 0 : i32
    return %arg0, %c0_i32, %c0_i32_0 : i32, i32, i32
  }
  func.func @transform_1(%arg0: i32) -> (i32, i32) {
    %c0_i32 = arith.constant 0 : i32
    %c0_i32_0 = arith.constant 0 : i32
    return %arg0, %c0_i32 : i32, i32
  }
}

module attributes {stable_mosaic.version = 14 : i64} {
  func.func @_k3_body(%arg0: i32, %arg1: memref<1xi32, #tpu.memory_space<smem>>, %arg2: memref<1024x128xf32, #tpu.memory_space<vmem>>, %arg3: memref<1024x128xi32, #tpu.memory_space<vmem>>, %arg4: memref<1024x1xi32, #tpu.memory_space<vmem>>, %arg5: memref<1x1024xi32, #tpu.memory_space<vmem>>, %arg6: memref<64x1024xi32, #tpu.memory_space<vmem>>, %arg7: memref<1x1xf32, #tpu.memory_space<vmem>>, %arg8: memref<64x1024xi32, #tpu.memory_space<vmem>>, %arg9: memref<1024x1024xf32, #tpu.memory_space<vmem>>, %arg10: memref<1024x128xf32, #tpu.memory_space<vmem>>, %arg11: memref<1024x128xf32, #tpu.memory_space<vmem>>) attributes {dimension_semantics = [#tpu.dimension_semantics<arbitrary>], iteration_bounds = array<i64: 1>, scalar_prefetch = 1 : i64, scratch_operands = 3 : i64, tpu.core_type = #tpu.core_type<tc>, window_params = [{pipeline_mode = #tpu.pipeline_mode<synchronous>, transform_indices = @transform_0, window_bounds = array<i64: 1024, 128>}, {pipeline_mode = #tpu.pipeline_mode<synchronous>, transform_indices = @transform_1, window_bounds = array<i64: 1024, 128>}, {pipeline_mode = #tpu.pipeline_mode<synchronous>, transform_indices = @transform_2, window_bounds = array<i64: 1024, 1>}, {pipeline_mode = #tpu.pipeline_mode<synchronous>, transform_indices = @transform_3, window_bounds = array<i64: 1, 1024>}, {pipeline_mode = #tpu.pipeline_mode<synchronous>, transform_indices = @transform_4, window_bounds = array<i64: 64, 1024>}, {pipeline_mode = #tpu.pipeline_mode<synchronous>, transform_indices = @transform_5, window_bounds = array<i64: 1, 1>}, {pipeline_mode = #tpu.pipeline_mode<synchronous>, transform_indices = @transform_6, window_bounds = array<i64: 64, 1024>}]} {
    %get3A = arith.constant 0 : index
    %get3A_0 = arith.constant 0 : index
    %get3A_1 = vector.load %arg2[%get3A, %get3A_0] : memref<1024x128xf32, #tpu.memory_space<vmem>>, vector<1024x128xf32>
    %div3A = arith.constant 7.000000e-02 : f32
    %div3A_2 = vector.broadcast %div3A : f32 to vector<1024x128xf32>
    %div3A_3 = arith.divf %get3A_1, %div3A_2 : vector<1024x128xf32>
    %exp3A = math.exp %div3A_3 : vector<1024x128xf32>
    %get3A_4 = arith.constant 0 : index
    %get3A_5 = arith.constant 0 : index
    %get3A_6 = vector.load %arg3[%get3A_4, %get3A_5] : memref<1024x128xi32, #tpu.memory_space<vmem>>, vector<1024x128xi32>
    %convert_element_type3A = arith.sitofp %get3A_6 : vector<1024x128xi32> to vector<1024x128xf32>
    %broadcast_in_dim3A = arith.constant 0.000000e+00 : f32
    %broadcast_in_dim3A_7 = vector.broadcast %broadcast_in_dim3A : f32 to vector<1024x1024xf32>
    %swap3A = arith.constant 0 : index
    %swap3A_8 = arith.constant 0 : index
    %swap3A_9 = vector.load %arg9[%swap3A, %swap3A_8] : memref<1024x1024xf32, #tpu.memory_space<vmem>>, vector<1024x1024xf32>
    tpu.vector_store %arg9[%swap3A, %swap3A_8], %broadcast_in_dim3A_7 {strides = array<i32>} : memref<1024x1024xf32, #tpu.memory_space<vmem>>, vector<1024x1024xf32>,
    %iota3A = tpu.iota {dimensions = array<i32: 1>} : vector<1024x1024xi32>
    %convert_element_type3A_10 = arith.sitofp %iota3A : vector<1024x1024xi32> to vector<1024x1024xf32>
    %iota3A_11 = tpu.iota {dimensions = array<i32: 0>} : vector<128x4xi32>
    %iota3A_12 = tpu.iota {dimensions = array<i32: 1>} : vector<128x4xi32>
    %iota3A_13 = tpu.iota {dimensions = array<i32: 1>} : vector<1024x128xi32>
    %broadcast_in_dim3A_14 = arith.constant 0.000000e+00 : f32
    %broadcast_in_dim3A_15 = vector.broadcast %broadcast_in_dim3A_14 : f32 to vector<1024x128xf32>
    %swap3A_16 = arith.constant 0 : index
    %swap3A_17 = arith.constant 0 : index
    %swap3A_18 = vector.load %arg10[%swap3A_16, %swap3A_17] : memref<1024x128xf32, #tpu.memory_space<vmem>>, vector<1024x128xf32>
    tpu.vector_store %arg10[%swap3A_16, %swap3A_17], %broadcast_in_dim3A_15 {strides = array<i32>} : memref<1024x128xf32, #tpu.memory_space<vmem>>, vector<1024x128xf32>,
    %broadcast_in_dim3A_19 = arith.constant 0.000000e+00 : f32
    %broadcast_in_dim3A_20 = vector.broadcast %broadcast_in_dim3A_19 : f32 to vector<1024x128xf32>
    %swap3A_21 = arith.constant 0 : index
    %swap3A_22 = arith.constant 0 : index
    %swap3A_23 = vector.load %arg11[%swap3A_21, %swap3A_22] : memref<1024x128xf32, #tpu.memory_space<vmem>>, vector<1024x128xf32>
    tpu.vector_store %arg11[%swap3A_21, %swap3A_22], %broadcast_in_dim3A_20 {strides = array<i32>} : memref<1024x128xf32, #tpu.memory_space<vmem>>, vector<1024x128xf32>,
    %get3A_24 = arith.constant 0 : index
    %get3A_25 = arith.constant 0 : index
    %get3A_26 = vector.load %arg2[%get3A_24, %get3A_25] : memref<1024x128xf32, #tpu.memory_space<vmem>>, vector<1024x128xf32>
    %scan3A = arith.constant 0 : i32
    %scan3A_27 = arith.constant 100 : i32
    %scan3A_28 = arith.addi %scan3A, %scan3A_27 : i32
    %scan3A_29 = arith.constant 1 : i32
    %scan3A_30 = scf.for %scan3A_83 = %scan3A to %scan3A_28 step %scan3A_29 iter_args(%scan3A_84 = %get3A_26) -> (vector<1024x128xf32>)  : i32 {
      %reduce_max3A_85 = arith.constant dense<0xFF800000> : vector<1024xf32>
      %reduce_max3A_86 = vector.multi_reduction <maximumf>, %scan3A_84, %reduce_max3A_85 [1] : vector<1024x128xf32> to vector<1024xf32>
      %broadcast_in_dim3A_87 = vector.shape_cast %reduce_max3A_86 : vector<1024xf32> to vector<1024x1xf32>
      %eq3A_88 = vector.broadcast %broadcast_in_dim3A_87 : vector<1024x1xf32> to vector<1024x128xf32>
      %eq3A_89 = arith.cmpf oeq, %scan3A_84, %eq3A_88 : vector<1024x128xf32>
      %jit3A_90 = arith.constant 1073741824 : i32
      %broadcast_in_dim3A_91 = vector.broadcast %jit3A_90 : i32 to vector<1024x128xi32>
      %select_n3A_92 = arith.select %eq3A_89, %iota3A_13, %broadcast_in_dim3A_91 : vector<1024x128xi1>, vector<1024x128xi32>
      %reduce_min3A_93 = arith.constant dense<2147483647> : vector<1024xi32>
      %reduce_min3A_94 = vector.multi_reduction <minsi>, %select_n3A_92, %reduce_min3A_93 [1] : vector<1024x128xi32> to vector<1024xi32>
      %broadcast_in_dim3A_95 = vector.shape_cast %reduce_min3A_94 : vector<1024xi32> to vector<1024x1xi32>
      %eq3A_96 = vector.broadcast %broadcast_in_dim3A_95 : vector<1024x1xi32> to vector<1024x128xi32>
      %eq3A_97 = arith.cmpi eq, %iota3A_13, %eq3A_96 : vector<1024x128xi32>
      %jit3A_98 = arith.constant 0.000000e+00 : f32
      %broadcast_in_dim3A_99 = vector.broadcast %jit3A_98 : f32 to vector<1024x128xf32>
      %select_n3A_100 = arith.select %eq3A_97, %convert_element_type3A, %broadcast_in_dim3A_99 : vector<1024x128xi1>, vector<1024x128xf32>
      %reduce_sum3A_101 = arith.constant dense<0.000000e+00> : vector<1024xf32>
      %reduce_sum3A_102 = vector.multi_reduction <add>, %select_n3A_100, %reduce_sum3A_101 [1] : vector<1024x128xf32> to vector<1024xf32>
      %broadcast_in_dim3A_103 = vector.shape_cast %reduce_sum3A_102 : vector<1024xf32> to vector<1024x1xf32>
      %jit3A_104 = arith.constant 0.000000e+00 : f32
      %broadcast_in_dim3A_105 = vector.broadcast %jit3A_104 : f32 to vector<1024x128xf32>
      %select_n3A_106 = arith.select %eq3A_97, %exp3A, %broadcast_in_dim3A_105 : vector<1024x128xi1>, vector<1024x128xf32>
      %reduce_sum3A_107 = arith.constant dense<0.000000e+00> : vector<1024xf32>
      %reduce_sum3A_108 = vector.multi_reduction <add>, %select_n3A_106, %reduce_sum3A_107 [1] : vector<1024x128xf32> to vector<1024xf32>
      %broadcast_in_dim3A_109 = vector.shape_cast %reduce_sum3A_108 : vector<1024xf32> to vector<1024x1xf32>
      %eq3A_110 = vector.broadcast %scan3A_83 : i32 to vector<1024x128xi32>
      %eq3A_111 = arith.cmpi eq, %iota3A_13, %eq3A_110 : vector<1024x128xi32>
      %get3A_112 = arith.constant 0 : index
      %get3A_113 = arith.constant 0 : index
      %get3A_114 = vector.load %arg10[%get3A_112, %get3A_113] : memref<1024x128xf32, #tpu.memory_space<vmem>>, vector<1024x128xf32>
      %broadcast_in_dim3A_115 = vector.shape_cast %broadcast_in_dim3A_109 : vector<1024x1xf32> to vector<1024x1xf32>
      %broadcast_in_dim3A_116 = vector.broadcast %broadcast_in_dim3A_115 : vector<1024x1xf32> to vector<1024x128xf32>
      %select_n3A_117 = arith.select %eq3A_111, %broadcast_in_dim3A_116, %get3A_114 : vector<1024x128xi1>, vector<1024x128xf32>
      %swap3A_118 = arith.constant 0 : index
      %swap3A_119 = arith.constant 0 : index
      %swap3A_120 = vector.load %arg10[%swap3A_118, %swap3A_119] : memref<1024x128xf32, #tpu.memory_space<vmem>>, vector<1024x128xf32>
      tpu.vector_store %arg10[%swap3A_118, %swap3A_119], %select_n3A_117 {strides = array<i32>} : memref<1024x128xf32, #tpu.memory_space<vmem>>, vector<1024x128xf32>,
      %eq3A_121 = vector.broadcast %scan3A_83 : i32 to vector<1024x128xi32>
      %eq3A_122 = arith.cmpi eq, %iota3A_13, %eq3A_121 : vector<1024x128xi32>
      %get3A_123 = arith.constant 0 : index
      %get3A_124 = arith.constant 0 : index
      %get3A_125 = vector.load %arg11[%get3A_123, %get3A_124] : memref<1024x128xf32, #tpu.memory_space<vmem>>, vector<1024x128xf32>
      %broadcast_in_dim3A_126 = vector.shape_cast %broadcast_in_dim3A_103 : vector<1024x1xf32> to vector<1024x1xf32>
      %broadcast_in_dim3A_127 = vector.broadcast %broadcast_in_dim3A_126 : vector<1024x1xf32> to vector<1024x128xf32>
      %select_n3A_128 = arith.select %eq3A_122, %broadcast_in_dim3A_127, %get3A_125 : vector<1024x128xi1>, vector<1024x128xf32>
      %swap3A_129 = arith.constant 0 : index
      %swap3A_130 = arith.constant 0 : index
      %swap3A_131 = vector.load %arg11[%swap3A_129, %swap3A_130] : memref<1024x128xf32, #tpu.memory_space<vmem>>, vector<1024x128xf32>
      tpu.vector_store %arg11[%swap3A_129, %swap3A_130], %select_n3A_128 {strides = array<i32>} : memref<1024x128xf32, #tpu.memory_space<vmem>>, vector<1024x128xf32>,
      %jit3A_132 = arith.constant -1.000000e+30 : f32
      %broadcast_in_dim3A_133 = vector.broadcast %jit3A_132 : f32 to vector<1024x128xf32>
      %select_n3A_134 = arith.select %eq3A_97, %broadcast_in_dim3A_133, %scan3A_84 : vector<1024x128xi1>, vector<1024x128xf32>
      scf.yield %select_n3A_134 : vector<1024x128xf32>
    }
    %scan3A_31 = arith.constant 100 : i32
    %get3A_32 = arith.constant 0 : index
    %get3A_33 = arith.constant 0 : index
    %get3A_34 = vector.load %arg10[%get3A_32, %get3A_33] : memref<1024x128xf32, #tpu.memory_space<vmem>>, vector<1024x128xf32>
    %get3A_35 = arith.constant 0 : index
    %get3A_36 = arith.constant 0 : index
    %get3A_37 = vector.load %arg11[%get3A_35, %get3A_36] : memref<1024x128xf32, #tpu.memory_space<vmem>>, vector<1024x128xf32>
    %scan3A_38 = arith.constant 0 : i32
    %scan3A_39 = arith.constant 25 : i32
    %scan3A_40 = arith.addi %scan3A_38, %scan3A_39 : i32
    %scan3A_41 = arith.constant 1 : i32
    scf.for %scan3A_83 = %scan3A_38 to %scan3A_40 step %scan3A_41  : i32 {
      %mul3A_84 = arith.constant 4 : i32
      %mul3A_85 = arith.muli %mul3A_84, %scan3A_83 : i32
      %add3A = vector.broadcast %mul3A_85 : i32 to vector<128x4xi32>
      %add3A_86 = arith.addi %add3A, %iota3A_12 : vector<128x4xi32>
      %eq3A_87 = arith.cmpi eq, %iota3A_11, %add3A_86 : vector<128x4xi32>
      %jit3A_88 = arith.constant 1.000000e+00 : f32
      %jit3A_89 = arith.constant 0.000000e+00 : f32
      %broadcast_in_dim3A_90 = vector.broadcast %jit3A_88 : f32 to vector<128x4xf32>
      %broadcast_in_dim3A_91 = vector.broadcast %jit3A_89 : f32 to vector<128x4xf32>
      %select_n3A_92 = arith.select %eq3A_87, %broadcast_in_dim3A_90, %broadcast_in_dim3A_91 : vector<128x4xi1>, vector<128x4xf32>
      %dot_general3A = arith.constant dense<0.000000e+00> : vector<1024x4xf32>
      %dot_general3A_93 = tpu.matmul %get3A_37, %select_n3A_92, %dot_general3A {dimension_numbers = #tpu.dot_dimension_numbers<[1], [0], [0], [1], [0, 0, 1, 1], [], []>, precision = #tpu.contract_precision<fp32>, transpose_lhs_hint = false} : vector<1024x128xf32>, vector<128x4xf32>, vector<1024x4xf32> -> vector<1024x4xf32>
      %dot_general3A_94 = arith.constant dense<0.000000e+00> : vector<1024x4xf32>
      %dot_general3A_95 = tpu.matmul %get3A_34, %select_n3A_92, %dot_general3A_94 {dimension_numbers = #tpu.dot_dimension_numbers<[1], [0], [0], [1], [0, 0, 1, 1], [], []>, precision = #tpu.contract_precision<fp32>, transpose_lhs_hint = false} : vector<1024x128xf32>, vector<128x4xf32>, vector<1024x4xf32> -> vector<1024x4xf32>
      %slice3A = vector.extract_strided_slice %dot_general3A_93 {offsets = [0, 0], sizes = [1024, 1], strides = [1, 1]} : vector<1024x4xf32> to vector<1024x1xf32>
      %eq3A_96 = vector.broadcast %slice3A : vector<1024x1xf32> to vector<1024x1024xf32>
      %eq3A_97 = arith.cmpf oeq, %convert_element_type3A_10, %eq3A_96 : vector<1024x1024xf32>
      %slice3A_98 = vector.extract_strided_slice %dot_general3A_95 {offsets = [0, 0], sizes = [1024, 1], strides = [1, 1]} : vector<1024x4xf32> to vector<1024x1xf32>
      %jit3A_99 = arith.constant 0.000000e+00 : f32
      %broadcast_in_dim3A_100 = vector.shape_cast %slice3A_98 : vector<1024x1xf32> to vector<1024x1xf32>
      %broadcast_in_dim3A_101 = vector.broadcast %broadcast_in_dim3A_100 : vector<1024x1xf32> to vector<1024x1024xf32>
      %broadcast_in_dim3A_102 = vector.broadcast %jit3A_99 : f32 to vector<1024x1024xf32>
      %select_n3A_103 = arith.select %eq3A_97, %broadcast_in_dim3A_101, %broadcast_in_dim3A_102 : vector<1024x1024xi1>, vector<1024x1024xf32>
      %slice3A_104 = vector.extract_strided_slice %dot_general3A_93 {offsets = [0, 1], sizes = [1024, 1], strides = [1, 1]} : vector<1024x4xf32> to vector<1024x1xf32>
      %eq3A_105 = vector.broadcast %slice3A_104 : vector<1024x1xf32> to vector<1024x1024xf32>
      %eq3A_106 = arith.cmpf oeq, %convert_element_type3A_10, %eq3A_105 : vector<1024x1024xf32>
      %slice3A_107 = vector.extract_strided_slice %dot_general3A_95 {offsets = [0, 1], sizes = [1024, 1], strides = [1, 1]} : vector<1024x4xf32> to vector<1024x1xf32>
      %jit3A_108 = arith.constant 0.000000e+00 : f32
      %broadcast_in_dim3A_109 = vector.shape_cast %slice3A_107 : vector<1024x1xf32> to vector<1024x1xf32>
      %broadcast_in_dim3A_110 = vector.broadcast %broadcast_in_dim3A_109 : vector<1024x1xf32> to vector<1024x1024xf32>
      %broadcast_in_dim3A_111 = vector.broadcast %jit3A_108 : f32 to vector<1024x1024xf32>
      %select_n3A_112 = arith.select %eq3A_106, %broadcast_in_dim3A_110, %broadcast_in_dim3A_111 : vector<1024x1024xi1>, vector<1024x1024xf32>
      %add3A_113 = arith.addf %select_n3A_103, %select_n3A_112 : vector<1024x1024xf32>
      %slice3A_114 = vector.extract_strided_slice %dot_general3A_93 {offsets = [0, 2], sizes = [1024, 1], strides = [1, 1]} : vector<1024x4xf32> to vector<1024x1xf32>
      %eq3A_115 = vector.broadcast %slice3A_114 : vector<1024x1xf32> to vector<1024x1024xf32>
      %eq3A_116 = arith.cmpf oeq, %convert_element_type3A_10, %eq3A_115 : vector<1024x1024xf32>
      %slice3A_117 = vector.extract_strided_slice %dot_general3A_95 {offsets = [0, 2], sizes = [1024, 1], strides = [1, 1]} : vector<1024x4xf32> to vector<1024x1xf32>
      %jit3A_118 = arith.constant 0.000000e+00 : f32
      %broadcast_in_dim3A_119 = vector.shape_cast %slice3A_117 : vector<1024x1xf32> to vector<1024x1xf32>
      %broadcast_in_dim3A_120 = vector.broadcast %broadcast_in_dim3A_119 : vector<1024x1xf32> to vector<1024x1024xf32>
      %broadcast_in_dim3A_121 = vector.broadcast %jit3A_118 : f32 to vector<1024x1024xf32>
      %select_n3A_122 = arith.select %eq3A_116, %broadcast_in_dim3A_120, %broadcast_in_dim3A_121 : vector<1024x1024xi1>, vector<1024x1024xf32>
      %add3A_123 = arith.addf %add3A_113, %select_n3A_122 : vector<1024x1024xf32>
      %slice3A_124 = vector.extract_strided_slice %dot_general3A_93 {offsets = [0, 3], sizes = [1024, 1], strides = [1, 1]} : vector<1024x4xf32> to vector<1024x1xf32>
      %eq3A_125 = vector.broadcast %slice3A_124 : vector<1024x1xf32> to vector<1024x1024xf32>
      %eq3A_126 = arith.cmpf oeq, %convert_element_type3A_10, %eq3A_125 : vector<1024x1024xf32>
      %slice3A_127 = vector.extract_strided_slice %dot_general3A_95 {offsets = [0, 3], sizes = [1024, 1], strides = [1, 1]} : vector<1024x4xf32> to vector<1024x1xf32>
      %jit3A_128 = arith.constant 0.000000e+00 : f32
      %broadcast_in_dim3A_129 = vector.shape_cast %slice3A_127 : vector<1024x1xf32> to vector<1024x1xf32>
      %broadcast_in_dim3A_130 = vector.broadcast %broadcast_in_dim3A_129 : vector<1024x1xf32> to vector<1024x1024xf32>
      %broadcast_in_dim3A_131 = vector.broadcast %jit3A_128 : f32 to vector<1024x1024xf32>
      %select_n3A_132 = arith.select %eq3A_126, %broadcast_in_dim3A_130, %broadcast_in_dim3A_131 : vector<1024x1024xi1>, vector<1024x1024xf32>
      %add3A_133 = arith.addf %add3A_123, %select_n3A_132 : vector<1024x1024xf32>
      %get3A_134 = arith.constant 0 : index
      %get3A_135 = arith.constant 0 : index
      %get3A_136 = vector.load %arg9[%get3A_134, %get3A_135] : memref<1024x1024xf32, #tpu.memory_space<vmem>>, vector<1024x1024xf32>
      %add3A_137 = arith.addf %get3A_136, %add3A_133 : vector<1024x1024xf32>
      %swap3A_138 = arith.constant 0 : index
      %swap3A_139 = arith.constant 0 : index
      %swap3A_140 = vector.load %arg9[%swap3A_138, %swap3A_139] : memref<1024x1024xf32, #tpu.memory_space<vmem>>, vector<1024x1024xf32>
      tpu.vector_store %arg9[%swap3A_138, %swap3A_139], %add3A_137 {strides = array<i32>} : memref<1024x1024xf32, #tpu.memory_space<vmem>>, vector<1024x1024xf32>,
    }
    %scan3A_42 = arith.constant 25 : i32
    %get3A_43 = arith.constant 0 : index
    %get3A_44 = arith.constant 0 : index
    %get3A_45 = vector.load %arg9[%get3A_43, %get3A_44] : memref<1024x1024xf32, #tpu.memory_space<vmem>>, vector<1024x1024xf32>
    %reduce_max3A = arith.constant dense<0xFF800000> : vector<1024xf32>
    %reduce_max3A_46 = vector.multi_reduction <maximumf>, %get3A_45, %reduce_max3A [1] : vector<1024x1024xf32> to vector<1024xf32>
    %broadcast_in_dim3A_47 = vector.shape_cast %reduce_max3A_46 : vector<1024xf32> to vector<1024x1xf32>
    %iota3A_48 = tpu.iota {dimensions = array<i32: 1>} : vector<1024x1024xi32>
    %eq3A = vector.broadcast %broadcast_in_dim3A_47 : vector<1024x1xf32> to vector<1024x1024xf32>
    %eq3A_49 = arith.cmpf oeq, %get3A_45, %eq3A : vector<1024x1024xf32>
    %jit3A = arith.constant 1073741824 : i32
    %broadcast_in_dim3A_50 = vector.broadcast %jit3A : i32 to vector<1024x1024xi32>
    %select_n3A = arith.select %eq3A_49, %iota3A_48, %broadcast_in_dim3A_50 : vector<1024x1024xi1>, vector<1024x1024xi32>
    %reduce_min3A = arith.constant dense<2147483647> : vector<1024xi32>
    %reduce_min3A_51 = vector.multi_reduction <minsi>, %select_n3A, %reduce_min3A [1] : vector<1024x1024xi32> to vector<1024xi32>
    %broadcast_in_dim3A_52 = vector.shape_cast %reduce_min3A_51 : vector<1024xi32> to vector<1024x1xi32>
    %get3A_53 = arith.constant 0 : index
    %get3A_54 = arith.constant 0 : index
    %get3A_55 = vector.load %arg4[%get3A_53, %get3A_54] : memref<1024x1xi32, #tpu.memory_space<vmem>>, vector<1024x1xi32>
    %eq3A_56 = arith.cmpi eq, %broadcast_in_dim3A_52, %get3A_55 : vector<1024x1xi32>
    %convert_element_type3A_57 = arith.extui %eq3A_56 : vector<1024x1xi1> to vector<1024x1xi32>
    %convert_element_type3A_58 = arith.sitofp %convert_element_type3A_57 : vector<1024x1xi32> to vector<1024x1xf32>
    %reduce_sum3A = arith.constant dense<0.000000e+00> : vector<1xf32>
    %reduce_sum3A_59 = vector.multi_reduction <add>, %convert_element_type3A_58, %reduce_sum3A [0] : vector<1024x1xf32> to vector<1xf32>
    %broadcast_in_dim3A_60 = vector.shape_cast %reduce_sum3A_59 : vector<1xf32> to vector<1x1xf32>
    %mul3A = arith.constant 9.765625E-4 : f32
    %mul3A_61 = vector.broadcast %mul3A : f32 to vector<1x1xf32>
    %mul3A_62 = arith.mulf %broadcast_in_dim3A_60, %mul3A_61 : vector<1x1xf32>
    %swap3A_63 = arith.constant 0 : index
    %swap3A_64 = arith.constant 0 : index
    %swap3A_65 = vector.load %arg7[%swap3A_63, %swap3A_64] : memref<1x1xf32, #tpu.memory_space<vmem>>, vector<1x1xf32>
    tpu.vector_store %arg7[%swap3A_63, %swap3A_64], %mul3A_62 {strides = array<i32>} : memref<1x1xf32, #tpu.memory_space<vmem>>, vector<1x1xf32>,
    %iota3A_66 = tpu.iota {dimensions = array<i32: 0>} : vector<64x1024xi32>
    %get3A_67 = arith.constant 0 : index
    %get3A_68 = memref.load %arg1[%get3A_67] : memref<1xi32, #tpu.memory_space<smem>>
    %eq3A_69 = vector.broadcast %get3A_68 : i32 to vector<64x1024xi32>
    %eq3A_70 = arith.cmpi eq, %iota3A_66, %eq3A_69 : vector<64x1024xi32>
    %get3A_71 = arith.constant 0 : index
    %get3A_72 = arith.constant 0 : index
    %get3A_73 = vector.load %arg5[%get3A_71, %get3A_72] : memref<1x1024xi32, #tpu.memory_space<vmem>>, vector<1x1024xi32>
    %get3A_74 = arith.constant 0 : index
    %get3A_75 = arith.constant 0 : index
    %get3A_76 = vector.load %arg6[%get3A_74, %get3A_75] : memref<64x1024xi32, #tpu.memory_space<vmem>>, vector<64x1024xi32>
    %broadcast_in_dim3A_77 = vector.shape_cast %get3A_73 : vector<1x1024xi32> to vector<1x1024xi32>
    %broadcast_in_dim3A_78 = vector.broadcast %broadcast_in_dim3A_77 : vector<1x1024xi32> to vector<64x1024xi32>
    %select_n3A_79 = arith.select %eq3A_70, %broadcast_in_dim3A_78, %get3A_76 : vector<64x1024xi1>, vector<64x1024xi32>
    %swap3A_80 = arith.constant 0 : index
    %swap3A_81 = arith.constant 0 : index
    %swap3A_82 = vector.load %arg8[%swap3A_80, %swap3A_81] : memref<64x1024xi32, #tpu.memory_space<vmem>>, vector<64x1024xi32>
    tpu.vector_store %arg8[%swap3A_80, %swap3A_81], %select_n3A_79 {strides = array<i32>} : memref<64x1024xi32, #tpu.memory_space<vmem>>, vector<64x1024xi32>,
    return
  }
  func.func @transform_0(%arg0: i32, %arg1: memref<1xi32, #tpu.memory_space<smem>>) -> (i32, i32) {
    %c0_i32 = arith.constant 0 : i32
    %c0_i32_0 = arith.constant 0 : i32
    %c0_i32_1 = arith.constant 0 : i32
    return %c0_i32, %c0_i32_0 : i32, i32
  }
  func.func @transform_1(%arg0: i32, %arg1: memref<1xi32, #tpu.memory_space<smem>>) -> (i32, i32) {
    %c0_i32 = arith.constant 0 : i32
    %c0_i32_0 = arith.constant 0 : i32
    %c0_i32_1 = arith.constant 0 : i32
    return %c0_i32, %c0_i32_0 : i32, i32
  }
  func.func @transform_2(%arg0: i32, %arg1: memref<1xi32, #tpu.memory_space<smem>>) -> (i32, i32) {
    %c0_i32 = arith.constant 0 : i32
    %c0_i32_0 = arith.constant 0 : i32
    %c0_i32_1 = arith.constant 0 : i32
    return %c0_i32, %c0_i32_0 : i32, i32
  }
  func.func @transform_3(%arg0: i32, %arg1: memref<1xi32, #tpu.memory_space<smem>>) -> (i32, i32) {
    %c0_i32 = arith.constant 0 : i32
    %c0_i32_0 = arith.constant 0 : i32
    %c0_i32_1 = arith.constant 0 : i32
    return %c0_i32, %c0_i32_0 : i32, i32
  }
  func.func @transform_4(%arg0: i32, %arg1: memref<1xi32, #tpu.memory_space<smem>>) -> (i32, i32) {
    %c0_i32 = arith.constant 0 : i32
    %c0_i32_0 = arith.constant 0 : i32
    %c0_i32_1 = arith.constant 0 : i32
    return %c0_i32, %c0_i32_0 : i32, i32
  }
  func.func @transform_5(%arg0: i32, %arg1: memref<1xi32, #tpu.memory_space<smem>>) -> (i32, i32) {
    %c0_i32 = arith.constant 0 : i32
    %c0_i32_0 = arith.constant 0 : i32
    %c0_i32_1 = arith.constant 0 : i32
    return %c0_i32, %c0_i32_0 : i32, i32
  }
  func.func @transform_6(%arg0: i32, %arg1: memref<1xi32, #tpu.memory_space<smem>>) -> (i32, i32) {
    %c0_i32 = arith.constant 0 : i32
    %c0_i32_0 = arith.constant 0 : i32
    %c0_i32_1 = arith.constant 0 : i32
    return %c0_i32, %c0_i32_0 : i32, i32
  }
}

</mosaic_0001>

<sc_bundles>
// kernel: kernel.6.cloned.1.call-start
scs
__scs_entry_jumppad:
0x0: {  	(pc) =	sbr.rel $0x88, $3  }
0x1: {  	(tag) =	ssettag $0x0;
	lr =	simm.s32 $0x1  }
0x2: {  	[smem:$0x3F9C] =	sst lr;
	_ =	strace $0xD0000000  }
0x3: {  	_ = 	snop  }
0x4: {  	_ = 	snop  }
0x5: {  	_ = 	snop  }
0x6: {  	_ = 	snop  }
0x7: {  	_ = 	snop  }
__scs_overlays_trampoline_lowered:
0x8: {  	[smem:$0x3FAB] =	sst s0  }
0x9: {  	[smem:$0x3FAC] =	sst s1  }
0xa: {  	[smem:$0x3FAD] =	sst s2  }
0xb: {  	[smem:$0x3FAE] =	sst s3  }
0xc: {  	[smem:$0x3FAF] =	sst s4  }
0xd: {  	[smem:$0x3FB0] =	sst s5  }
0xe: {  	[smem:$0x3FB1] =	sst s6  }
0xf: {  	[smem:$0x3FB2] =	sst s7  }
0x10: {  	[smem:$0x3FB3] =	sst s8  }
0x11: {  	[smem:$0x3FB4] =	sst s9;
	s0 =	simm.s32 @!p0 $0x0  }
0x12: {  	s1 =	sld [smem:$0x3F9A];
	s0 =	simm.s32 @p0 $0x1  }
0x13: {  	[smem:$0x3FB5] =	sst s0;
	s0 =	simm.s32 @!p1 $0x0  }
0x14: {  	s2 =	sld [smem:$0x3F99];
	s0 =	simm.s32 @p1 $0x1  }
0x15: {  	[smem:$0x3FB6] =	sst s0;
	s0 =	simm.s32 @!p2 $0x0  }
0x16: {  	s3 =	sld [smem:$0x3FDB];
	s0 =	simm.s32 @p2 $0x1  }
0x17: {  	s4 =	simm.s32 $0x1BF5;
	[smem:$0x3FB8] =	sst s0  }
0x18: {  	s0 =	sld [smem:$0x3F9B];
	_ =	swait.ge [sflag:s4], $0x0  }
0x19: {  	s7 =	sld [smem:$0x3F9C]  }
0x1a: {  	s8 =	sadd.s32 $0xFFFFE003, lr  }
0x1b: {  	s9 =	sadd.s32 $0xFFFFFEF7, lr;
	s5 =	simm.s32 $0xFFFFFFFF;
	p2 =	slt.u32 s8, $0xFFFFF086  }
0x1c: {  	p1 =	slt.u32 s9, $0xF7A;
	s5 =	simm.s32 @!p2 $0x0  }
0x1d: {  	s5 =	simm.s32 @p1 $0x1;
	p0 =	seq.s32 s7, s2  }
0x1e: {  	s7 =	smul.u32 @!p0 $0xF7A, s2;
	p2 =	seq.s32 @!p0 s5, $0x0  }
0x1f: {  	s9 =	smul.u32 $0xF7A, s1;
	s8 =	simm.s32 @!p0 $0x1BF5;
	p2 =	por !p2, p0  }
0x20: {  	[sflag:s8] =	ssyncset.s32 @!p0 $0xFFFFF086;
	s6 =	sadd.s32 @!p0 s3, s7;
	s7 =	simm.s32 @!p0 $0x108  }
0x21: {  	s3 =	sadd.s32 s3, s9;
	s6 =	sadd.s32 @!p0 $0x88, s6;
	s7 =	simm.s32 @p2 $0x1082  }
0x22: {  	[simem:s7], [sflag:s8] =	dma.local @!p0 [hbm:s6], $0xF7A  }
0x23: {  	s9 =	sor.u32 $0xD0000000, s2;
	s6 =	simm.s32 $0x108;
	_ =	swait.ge @!p0 [sflag:s8], $0x0  }
0x24: {  	s3 =	sadd.s32 $0x88, s3;
	s6 =	simm.s32 @!p1 $0x1082;
	[sflag:s4] =	ssyncset.s32 $0xFFFFF086  }
0x25: {  	[simem:s6], [sflag:s4] =	dma.local [hbm:s3], $0xF7A  }
0x26: {  	[smem:$0x3F9C] =	sst s1;
	(tag) =	ssettag s2;
	_ =	strace s9  }
0x27: {  	s1 =	sld [smem:$0x3FAC]  }
0x28: {  	s2 =	sld [smem:$0x3FAD]  }
0x29: {  	s4 =	sld [smem:$0x3FAF]  }
0x2a: {  	p0 =	seq.s32 s5, $0x0;
	s5 =	sld [smem:$0x3FB0]  }
0x2b: {  	s6 =	sld [smem:$0x3FB1]  }
0x2c: {  	s7 =	sld [smem:$0x3FB2]  }
0x2d: {  	s3 =	simm.s32 $0x108;
	s8 =	sld [smem:$0x3FB3]  }
0x2e: {  	s3 =	simm.s32 @!p0 $0x1082;
	s9 =	sld [smem:$0x3FB4]  }
0x2f: {  	lr =	sadd.s32 s0, s3;
	s0 =	sld [smem:$0x3FAB]  }
0x30: {  	s3 =	sld [smem:$0x3FAE]  }
0x31: {  	[smem:$0x3FB7] =	sst s10  }
0x32: {  	s10 =	sld [smem:$0x3FB5];
	_ =	sdelay $0x3  }
0x33: {  	p0 =	seq.s32 s10, $0x1;
	s10 =	sld [smem:$0x3FB7];
	_ =	sdelay $0x3  }
0x34: {  	[smem:$0x3FB7] =	sst s10  }
0x35: {  	s10 =	sld [smem:$0x3FB6];
	_ =	sdelay $0x3  }
0x36: {  	p1 =	seq.s32 s10, $0x1;
	s10 =	sld [smem:$0x3FB7];
	_ =	sdelay $0x3  }
0x37: {  	[smem:$0x3FB7] =	sst s10  }
0x38: {  	s10 =	sld [smem:$0x3FB8]  }
0x39: {  	_ = 	snop;
	(pc) =	sbr.ind lr, $3  }
0x3a: {  	_ = 	snop  }
0x3b: {  	_ = 	snop  }
0x3c: {  	p2 =	seq.s32 s10, $0x1;
	s10 =	sld [smem:$0x3FB7]  }
0x3d: {  	_ =	shalt  }
0x3e: {  	_ =	shalt  }
0x3f: {  	_ =	shalt  }
0x40: {  	_ =	shalt  }
0x41: {  	_ =	shalt  }
0x42: {  	_ =	shalt  }
0x43: {  	_ =	shalt  }
0x44: {  	_ =	shalt  }
0x45: {  	_ =	shalt  }
0x46: {  	_ =	shalt  }
0x47: {  	_ =	shalt  }
0x48: {  	_ =	shalt  }
0x49: {  	_ =	shalt  }
0x4a: {  	_ =	shalt  }
0x4b: {  	_ =	shalt  }
0x4c: {  	_ =	shalt  }
0x4d: {  	_ =	shalt  }
0x4e: {  	_ =	shalt  }
0x4f: {  	_ =	shalt  }
0x50: {  	_ =	shalt  }
0x51: {  	_ =	shalt  }
0x52: {  	_ =	shalt  }
0x53: {  	_ =	shalt  }
0x54: {  	_ =	shalt  }
0x55: {  	_ =	shalt  }
0x56: {  	_ =	shalt  }
0x57: {  	_ =	shalt  }
0x58: {  	_ =	shalt  }
0x59: {  	_ =	shalt  }
0x5a: {  	_ =	shalt  }
0x5b: {  	_ =	shalt  }
0x5c: {  	_ =	shalt  }
0x5d: {  	_ =	shalt  }
0x5e: {  	_ =	shalt  }
0x5f: {  	_ =	shalt  }
0x60: {  	_ =	shalt  }
0x61: {  	_ =	shalt  }
0x62: {  	_ =	shalt  }
0x63: {  	_ =	shalt  }
0x64: {  	_ =	shalt  }
0x65: {  	_ =	shalt  }
0x66: {  	_ =	shalt  }
0x67: {  	_ =	shalt  }
0x68: {  	_ =	shalt  }
0x69: {  	_ =	shalt  }
0x6a: {  	_ =	shalt  }
0x6b: {  	_ =	shalt  }
0x6c: {  	_ =	shalt  }
0x6d: {  	_ =	shalt  }
0x6e: {  	_ =	shalt  }
0x6f: {  	_ =	shalt  }
0x70: {  	_ =	shalt  }
0x71: {  	_ =	shalt  }
0x72: {  	_ =	shalt  }
0x73: {  	_ =	shalt  }
0x74: {  	_ =	shalt  }
0x75: {  	_ =	shalt  }
0x76: {  	_ =	shalt  }
0x77: {  	_ =	shalt  }
0x78: {  	_ =	shalt  }
0x79: {  	_ =	shalt  }
0x7a: {  	_ =	shalt  }
0x7b: {  	_ =	shalt  }
0x7c: {  	_ =	shalt  }
0x7d: {  	_ =	shalt  }
0x7e: {  	_ =	shalt  }
0x7f: {  	_ =	shalt  }
0x80: {  	_ =	shalt  }
0x81: {  	_ =	shalt  }
0x82: {  	_ =	shalt  }
0x83: {  	_ =	shalt  }
0x84: {  	_ =	shalt  }
0x85: {  	_ =	shalt  }
0x86: {  	_ =	shalt  }
0x87: {  	_ =	shalt  }
.Lfunc_end0:
.L_simem_size_0:
called_computation_lowered:
.L_overlay_start_0:
0x88: {  	s2 =	sld [smem:$0x3FD9]  }
0x89: {  	s3 =	sld [smem:$0x3FFE];
	_ =	sdelay $0x1  }
0x8a: {  	s1 =	srdreg.scid  }
0x8b: {  	s0 =	sand.u32 $0x1, s1  }
0x8c: {  	s14 =	sshll.u32 s0, $0xA;
	s2 =	sadd.s32 s3, s2  }
0x8d: {  	s2 =	sadd.s32 s2, s14  }
0x8e: {  	[smem:$0x3FC3] =	sst s2  }
0x8f: {  	_ = 	snop  }
0x90: {  	s2 =	sld [smem:$0x3FD0];
	_ =	sdelay $0x2  }
0x91: {  	s15 =	simm.s32 $0xA;
	s4 =	simm.s32 $0x10  }
0x92: {  	[smem:s4], [sflag:s15] =	dma.local [hbm:s2], $0x1  }
0x93: {  	_ =	swait.eq [sflag:s15], $0x1  }
0x94: {  	[sflag:s15] =	ssyncset.done $0x0  }
0x95: {  	[sflag:s15] =	ssyncadd.s32 $0xFFFFFFFF  }
0x96: {  	s16 =	sld [smem:$0x12];
	(tm) =	ssettm $0x1  }
0x97: {  	s17 =	sld [smem:$0x3FFB];
	_ =	sdelay $0x3  }
0x98: {  	_ =	strace s17  }
0x99: {  	s3 =	sld [smem:$0x3FFC];
	_ =	sdelay $0x3  }
0x9a: {  	_ =	strace s3  }
0x9b: {  	s3 =	sld [smem:$0x3FFD];
	_ =	sdelay $0x3  }
0x9c: {  	_ =	strace s3  }
0x9d: {  	_ =	strace $0x8FFFFFFF  }
0x9e: {  	s18 =	sld [smem:$0x3FDB];
	_ =	sdelay $0x1  }
0x9f: {  	s19 =	simm.s32 $_scs_section_size  }
0xa0: {  	s5 =	simm.s32 $_size__tile_overlayer_lowered;
	s6 =	simm.s32 $_tile_overlayer_lowered  }
0xa1: {  	s22 =	simm.s32 $0x1BFF;
	s21 =	sshll.u32 s6, $0x1;
	s3 =	sadd.s32 s19, s18  }
0xa2: {  	s7 =	simm.s32 $0x0;
	s20 =	sshll.u32 s5, $0x1;
	s5 =	sadd.s32 s21, s3  }
0xa3: {  	[timem:s7], [sflag:s22] =	dma.local [hbm:s5], s20  }
0xa4: {  	_ =	swait.ge [sflag:s22], s20  }
0xa5: {  	s4 =	ssub.s32 $0x0, s20;
	[sflag:s22] =	ssyncset.done $0x0  }
0xa6: {  	[sflag:s22] =	ssyncadd.s32 s4;
	_ =	sdelay $0x1  }
0xa7: {  	s23 =	simm.s32 $0x1B8B  }
0xa8: {  	_ =	swait.ge [sflag:s23], $0x1  }
0xa9: {  	[sflag:s23] =	ssyncset.done $0x0  }
0xaa: {  	s25 =	simm.s32 $0x1B8E;
	s24 =	sld [smem:$0x3FFE];
	[sflag:s23] =	ssyncadd.s32 $0xFFFFFFFF  }
0xab: {  	s26 =	simm.s32 $execute0_lowered;
	[smem:$0x3FD2] =	sst s25  }
0xac: {  	s5 =	sshll.u32 s26, $0x1;
	_ =	strace $0x80000046;
	[dreg:$0x1] =	wrdreg $0xFFFFFFFF  }
0xad: {  	s28 =	simm.s32 $_size_execute0_lowered;
	s3 =	sadd.s32 s3, s5;
	[dreg:$0x0] =	wrdreg $0x0  }
0xae: {  	s5 =	sshll.u32 s28, $0x1;
	[dreg:$0x2] =	wrdreg s3  }
0xaf: {  	[dreg:$0x3] =	wrdreg s5  }
0xb0: {  	[dreg:$0x4] =	wrdreg $0xC0  }
0xb1: {  	_ =	task [dreg:s7], $0x5FFFF  }
0xb2: {  	[dreg:$0x1] =	wrdreg $0xFFFFFFFF  }
0xb3: {  	[dreg:$0x0] =	wrdreg $0x60  }
0xb4: {  	[dreg:$0x2] =	wrdreg s24  }
0xb5: {  	[dreg:$0x3] =	wrdreg s16  }
0xb6: {  	[dreg:$0x4] =	wrdreg $0x9  }
0xb7: {  	_ =	task.clear_ibuf [dreg:s7], $0x5FFFF;
	_ =	strace $0x90000046  }
0xb8: {  	s29 =	simm.s32 $0x9;
	_ =	strace $0x80000048  }
0xb9: {  	_ =	swait.ge [sflag:s29], $0x1  }
0xba: {  	[sflag:s29] =	ssyncadd.s32 $0xFFFFFFFF  }
0xbb: {  	_ =	strace $0x90000048  }
0xbc: {  	_ =	sfence  }
0xbd: {  	s30 =	sld [smem:$0x0];
	_ =	sdelay $0x2  }
0xbe: {  	s31 =	sshll.u32 s1, $0xD;
	s1 =	sshrl.u32 s1, $0x2  }
0xbf: {  	s3 =	sand.u32 $0x4000, s31;
	s1 =	sadd.s32 s1, s30  }
0xc0: {  	s0 =	sor.u32 s3, s0;
	s1 =	sshll.u32 s1, $0x11  }
0xc1: {  	s0 =	sor.u32 s1, s0  }
0xc2: {  	s0 =	sadd.s32 $0x8F2B, s0  }
0xc3: {  	[sflag:s0] =	ssyncadd.remote.s32 $0x1  }
0xc4: {  	_ =	sfence.sel $0xFFFF  }
0xc5: {  	[dreg:$0x0] =	wrdreg $0xFFFFFFFF;
	(pc) =	sbr.abs _section_cstart, $3  }
0xc6: {  	[dreg:$0x1] =	wrdreg $0xFFFFFFFF  }
0xc7: {  	_ =	task.clear_ibuf [dreg:s7], $0x2FFFF;
	_ =	strace $0x9FFFFFFF  }
0xc8: {  	(tm) =	ssettm $0x7FFFFFFF  }
0xc9: {  	_ =	shalt  }
tec
execute0_lowered:
.L_overlay_start_1:
0x0: {  	(tag) =	ssettag $0x1  }
0x1: {  	s0 =	rddreg [dreg:$0x0]  }
0x2: {  	s2 =	rddreg [dreg:$0x1]  }
0x3: {  	s1 =	srdreg.scid;
	s3 =	simm.s32 $0x0;
	s4 =	stileid.u32  }
0x4: {  	s12 =	simm.s32 $0x4;
	s13 =	simm.s32 $0x80;
	s14 =	simm.s32 $0x400  }
0x5: {  	s15 =	simm.s32 $0x1;
	s16 =	simm.s32 $0x2;
	s17 =	simm.s32 $0x80000000  }
0x6: {  	s18 =	simm.s32 $0x10000;
	s19 =	simm.s32 $0x1DE00;
	s20 =	simm.s32 $0x1DE80  }
0x7: {  	s21 =	simm.s32 $0x3;
	s22 =	simm.s32 $0x1DD80;
	s1 =	sand.u32 $0x1, s1  }
0x8: {  	[smem:$0x7FF] =	sst s3;
	s4 =	sshll.u32 s4, $0x6;
	s6 =	sadd.s32 $0x805C00, s0  }
0x9: {  	s8 =	sadd.s32 $0x817C00, s0;
	s5 =	sshll.u32 s1, $0x5;
	s1 =	ssub.s32 $0x2, s1  }
.Ltmp0:
0xa: {  	s4 =	sor.u32 s5, s4;
	s9 =	sshrl.u32 s1, $0x1;
	(pc) =	sbr.rel .LBB2_1-.Ltmp0, $4  }
0xb: {  	_ =	strace $0x80000047;
	s7 =	sshll.u32 s4, $0x4;
	s1 =	ssub.s32 s1, s9  }
0xc: {  	v0 =	vlaneseq.u32;
	s5 =	sadd.s32 $0x1C00, s0;
	s10 =	sadd.s32 s7, s0;
	s31 =	smax.u32 s1, $0x1  }
0xd: {  	v3 =	vimm.s32 $0x0;
	v4 =	vimm.f32 $0.0e+00;
	v5 =	vimm.f32 $-1.000000020e+30;
	s9 =	sadd.s32 $0x81BC00, s0;
	s30 =	sadd.s32 $0x801C00, s10;
	[dreg:$0x4] =	wrdreg s31  }
0xe: {  	v6 =	vimm.s32 $0xFFFF;
	v1 =	vor.u32 $0x80000010, v0;
	v2 =	vor.u32 $0x80000000, v0;
	s7 =	sadd.s32 $0x815C00, s0;
	s1 =	simm.s32 $0x0;
	[dreg:$0x3] =	wrdreg s30  }
.LBB2_50:
0xf: {  	s1 =	rddreg [dreg:$0x5]  }
0x10: {  	s0 =	rddreg [dreg:$0x4];
	s1 =	sadd.s32 $0x1, s1  }
0x11: {  	p0 =	sne.s32 s1, s0  }
.Ltmp1:
0x12: {  	_ = 	snop;
	(pc) =	sbr.rel @!p0 .LBB2_51-.Ltmp1, $1  }
0x13: {  	_ =	sdelay $0x3  }
.LBB2_1:
0x14: {  	[dreg:$0x5] =	wrdreg s1  }
.Ltmp2:
0x15: {  	s0 =	rddreg [dreg:$0x3];
	(pc) =	sbr.rel .LBB2_2-.Ltmp2, $4  }
0x16: {  	[tilespmem:s3], [sflag:$0x4] =	stream.linear.gather [hbm4b:s0+s3], $0x1000, $0x38;
	[tilespmem:$0x1DF00] =	vst v63  }
0x17: {  	_ =	swait.ge [sflag:s12], $0x1000  }
0x18: {  	[sflag:s12] =	ssyncset.done $0x0  }
0x19: {  	s24 =	simm.s32 $0x0;
	[sflag:s12] =	ssyncadd.s32 $0xFFFFF000  }
.LBB2_44:
0x1a: {  	s0 =	simm.s32 $0x0;
	s1 =	simm.s32 $0x1D600  }
.LBB2_48:
0x1b: {  	vm0 =	vmor vm0, vm1  }
0x1c: {  	v7 =	vsel vm0, $0x3F800000, v4  }
0x1d: {  	(xrf0) =	vmax.scan.msk.f32 $0xffff, v7;
	_ =	sdelay $0x5  }
0x1e: {  	v7, _, _ =	vpop (xrf0)  }
0x1f: {  	(v2sf) =	vpush v7, $0xF;
	_ =	sdelay $0xe  }
0x20: {  	s10 =	spop (v2sf)  }
0x21: {  	p2 =	sgt.f32 s10, $0.0e+00;
	_ =	sdelay $0x1  }
0x22: {  	v7 =	vimm.s32 @p2 $0x0  }
0x23: {  	v7 =	vsel @p2 vm0, $0x1, v7  }
0x24: {  	s1 =	sadd.s32 @p0 $0x10, s1;
	(xrf0) =	vadd.scan.msk.s32 @p2 $0xffff, v7  }
0x25: {  	s29 =	smov.u32 @p0 s1  }
0x26: {  	v7 =	vld @p2 [tilespmem:s29+$0x0]  }
0x27: {  	v8 =	vlaneseq.u32 @p2  }
0x28: {  	v10 =	vor.u32 @p2 $0x80000010, v8;
	v8 =	vor.u32 @p2 $0x80000000, v8  }
0x29: {  	v8 =	vsel @p2 vm0, v8, v10  }
0x2a: {  	(xrf1) =	vsort.ascd.msk.u32 @p2 $0xffff, v8, v9;
	v9, _, _ =	vpop @p2 (xrf0)  }
0x2b: {  	(xrf1) =	vsort.ascd.msk.u32 @p2 $0xffff, v8, v7;
	(v2sf) =	vpush @p2 v9, $0xF;
	_ =	sdelay $0xa  }
0x2c: {  	p1 =	por !p1, !p0  }
0x2d: {  	s11 =	smov.u32 @p1 s0  }
0x2e: {  	s28 =	smov.u32 @p0 s11;
	_, v7, _ =	vpop @p2 (xrf1)  }
0x2f: {  	[tilespmem:s28+$0x1DE00] =	vst @p2 v7;
	_, v7, _ =	vpop @p2 (xrf1)  }
0x30: {  	[tilespmem:s28+$0x1DD80] =	vst @p2 v7;
	s0 =	spop @p2 (v2sf)  }
.LBB2_49:
0x31: {  	[tilespmem:s20], [sflag:$0x3] =	stream.indirect.gather [hbm4b:s7+s13], $0x1, s19, s13, $0xb8;
	[tilespmem:$0x1DF00] =	vst v63  }
0x32: {  	s0 =	sshll.u32 s26, $0xA  }
0x33: {  	_ =	swait.ge [sflag:s21], $0x80;
	s0 =	sor.u32 s25, s0  }
0x34: {  	[sflag:s21] =	ssyncset.done $0x0;
	s0 =	sshrl.u32 s0, $0x3  }
0x35: {  	[sflag:s21] =	ssyncadd.s32 $0xFFFFFF80;
	s1 =	sadd.s32 s8, s0  }
0x36: {  	[hbm4b:s1+s3] =	stream.linear.scatter [tilespmem:s22], [sflag:$0x4], $0x80, $0x38;
	[tilespmem:$0x1DF00] =	vst v63  }
0x37: {  	s24 =	sadd.s32 $0x1, s24;
	_ =	swait.ge [sflag:s12], $0x80  }
0x38: {  	p0 =	sne.s32 s24, $0x20;
	[sflag:s12] =	ssyncset.done $0x0  }
.Ltmp3:
0x39: {  	s0 =	sadd.s32 s9, s0;
	[sflag:s12] =	ssyncadd.s32 $0xFFFFFF80;
	(pc) =	sbr.rel @!p0 .LBB2_50-.Ltmp3, $4  }
0x3a: {  	[hbm4b:s0+s3] =	stream.linear.scatter [tilespmem:s20], [sflag:$0x4], $0x80, $0x38;
	[tilespmem:$0x1DF00] =	vst v63  }
0x3b: {  	_ =	swait.ge [sflag:s12], $0x80  }
0x3c: {  	[sflag:s12] =	ssyncset.done $0x0  }
0x3d: {  	[sflag:s12] =	ssyncadd.s32 $0xFFFFFF80  }
.LBB2_2:
0x3e: {  	s0 =	sor.u32 s4, s24  }
0x3f: {  	s1 =	sshll.u32 s24, $0x7;
	s26 =	sshrl.u32 s0, $0x3  }
0x40: {  	s25 =	sand.u32 $0x380, s1;
	s10 =	sshll.u32 s26, $0xC  }
0x41: {  	s10 =	sor.u32 s25, s10  }
0x42: {  	s10 =	sshrl.u32 s10, $0x3  }
0x43: {  	s28 =	simm.s32 $0x1000;
	s1 =	sand.u32 $0x3FFFFF80, s1;
	s10 =	sadd.s32 s6, s10  }
0x44: {  	v7 =	vld [tilespmem:s1+$0x0];
	[tilespmem:s28], [sflag:$0x4] =	stream.strided.gather [hbm4b:s10+s13], $0x200, s14, s13, $0x38  }
0x45: {  	_ =	swait.ge [sflag:s12], $0x200  }
0x46: {  	[sflag:s12] =	ssyncset.done $0x0  }
0x47: {  	[sflag:s12] =	ssyncadd.s32 $0xFFFFFE00  }
0x48: {  	v9 =	vld [tilespmem:s28+$0x0];
	_ =	sdelay $0x4  }
0x49: {  	s29 =	simm.s32 $0x0;
	vm0 =	vge.f32 v9, v7  }
0x4a: {  	v9 =	vor.u32 s29, v0;
	v10 =	vsel vm0, v2, v1  }
0x4b: {  	v11 =	vsel vm0, $0x1, v3;
	(xrf1) =	vsort.ascd.msk.u32 $0xffff, v10, v9  }
0x4c: {  	(xrf0) =	vadd.scan.msk.s32 $0xffff, v11;
	_ =	sdelay $0x5  }
0x4d: {  	v9, _, _ =	vpop (xrf0)  }
0x4e: {  	(v2sf) =	vpush v9, $0xF;
	_ =	sdelay $0x4  }
0x4f: {  	s0 =	sshll.u32 s0, $0x9  }
0x50: {  	v8 =	vmov s0;
	_, v9, _ =	vpop (xrf1)  }
0x51: {  	[tilespmem:s29+$0x1200] =	vst v9;
	v9 =	vadd.s32 v8, v9  }
0x52: {  	s0 =	simm.s32 $0x1010;
	[tilespmem:s29+$0x1400] =	vst v9  }
0x53: {  	v9 =	vld [tilespmem:s0+$0x0];
	_ =	sdelay $0x4  }
0x54: {  	s30 =	simm.s32 $0x10;
	vm15 =	vge.f32 v9, v7  }
0x55: {  	v10 =	vor.u32 s30, v0;
	s31 =	spop (v2sf);
	v11 =	vsel vm15, v2, v1  }
0x56: {  	s10 =	simm.s32 $0x20;
	v9 =	vsel vm15, $0x1, v3;
	s1 =	sadd.s32 $0x0, s31;
	(xrf1) =	vsort.ascd.msk.u32 $0xffff, v11, v10  }
.LBB2_3:
0x57: {  	p0 =	seq.s32 s10, $0x1F0  }
0x58: {  	(xrf0) =	vadd.scan.msk.s32 $0xffff, v9;
	p1 =	slt.s32 s1, $0x140;
	s11 =	smov.u32 s10;
	s10 =	sadd.s32 $0x10, s10  }
0x59: {  	s1 =	simm.s32 @!p1 $0x140;
	_ =	sdelay $0x4  }
0x5a: {  	v9, _, _ =	vpop (xrf0)  }
0x5b: {  	(v2sf) =	vpush v9, $0xF;
	_ =	sdelay $0x5  }
0x5c: {  	_, v9, _ =	vpop (xrf1)  }
0x5d: {  	[tilespmem:s1+$0x1200] =	vst v9;
	v9 =	vadd.s32 v8, v9  }
0x5e: {  	s0 =	sadd.s32 $0x10, s0;
	[tilespmem:s1+$0x1400] =	vst v9  }
0x5f: {  	v9 =	vld [tilespmem:s0+$0x0];
	_ =	sdelay $0x2  }
.Ltmp4:
0x60: {  	(pc) =	sbr.rel @!p0 .LBB2_3-.Ltmp4, $4  }
0x61: {  	_ = 	snop  }
0x62: {  	vm0 =	vge.f32 v9, v7  }
0x63: {  	v10 =	vor.u32 s11, v0;
	v11 =	vsel vm0, v2, v1;
	v9 =	vsel vm0, $0x1, v3;
	s11 =	spop (v2sf)  }
0x64: {  	(xrf1) =	vsort.ascd.msk.u32 $0xffff, v11, v10;
	s1 =	sadd.s32 s1, s11  }
0x65: {  	(xrf0) =	vadd.scan.msk.s32 $0xffff, v9;
	_ =	sdelay $0x5  }
0x66: {  	v9, _, _ =	vpop (xrf0)  }
0x67: {  	(v2sf) =	vpush v9, $0xF;
	_ =	sdelay $0xd  }
0x68: {  	p0 =	slt.s32 s1, $0x140  }
0x69: {  	s1 =	simm.s32 @!p0 $0x140;
	s0 =	spop (v2sf)  }
0x6a: {  	_, v63, _ =	vpop (xrf1);
	s0 =	sadd.s32 s1, s0  }
0x6b: {  	[tilespmem:s1+$0x1200] =	vst v63;
	v9 =	vadd.s32 v8, v63;
	p0 =	slt.s32 s0, $0x140;
	s28 =	smov.u32 s0  }
0x6c: {  	[tilespmem:s1+$0x1400] =	vst v9;
	s28 =	simm.s32 @!p0 $0x140  }
0x6d: {  	[tilespmem:s28+$0x1200] =	vst v3  }
0x6e: {  	[tilespmem:s28+$0x1400] =	vst v8  }
0x6f: {  	[tilespmem:s28+$0x1210] =	vst v3  }
0x70: {  	[tilespmem:s28+$0x1410] =	vst v8;
	s30 =	sadd.s32 $0x7F, s28  }
0x71: {  	[tilespmem:s28+$0x1220] =	vst v3;
	s10 =	sand.u32 $0x7F, s30  }
0x72: {  	p1 =	slt.s32 s0, $0xFFFFFF82;
	[tilespmem:s28+$0x1420] =	vst v8;
	s31 =	sshra.s32 s30, $0x1F;
	p6 =	sne.s32 s10, $0x0  }
0x73: {  	[tilespmem:s28+$0x1230] =	vst v3;
	s10 =	sshrl.u32 s31, $0x19;
	p0 =	por !p1, !p6  }
0x74: {  	[tilespmem:s28+$0x1430] =	vst v8;
	s1 =	sadd.s32 s10, s30;
	s10 =	simm.s32 $0x1;
	p0 =	por !p0, !p0  }
0x75: {  	[tilespmem:s28+$0x1240] =	vst v3;
	s1 =	sshra.s32 s1, $0x7;
	s10 =	simm.s32 @!p0 $0x0  }
0x76: {  	[tilespmem:s28+$0x1440] =	vst v8;
	s1 =	ssub.s32 s1, s10  }
0x77: {  	[tilespmem:s28+$0x1250] =	vst v3;
	p0 =	sgt.s32 s1, $0x0  }
.Ltmp5:
0x78: {  	[tilespmem:s28+$0x1450] =	vst v8;
	(pc) =	sbr.rel @!p0 .LBB2_10-.Ltmp5, $4  }
0x79: {  	[tilespmem:s28+$0x1260] =	vst v3  }
0x7a: {  	[tilespmem:s28+$0x1460] =	vst v8  }
0x7b: {  	[tilespmem:s28+$0x1270] =	vst v3  }
0x7c: {  	[tilespmem:s28+$0x1470] =	vst v8  }
0x7d: {  	p0 =	seq.s32 s1, $0x1  }
.Ltmp6:
0x7e: {  	s29 =	simm.s32 $0x1400;
	(pc) =	sbr.rel @p0 .LBB2_7-.Ltmp6, $4  }
0x7f: {  	s10 =	simm.s32 $0x1200;
	s11 =	simm.s32 $0xF600;
	s30 =	simm.s32 $0x1600  }
0x80: {  	[tilespmem:s30], [sflag:$0x1] =	stream.indirect.gather [hbm4b:s5+s13], $0x80, s29, s13, $0xb8;
	[tilespmem:$0x1DF00] =	vst v63  }
0x81: {  	s31 =	simm.s32 $0x5600;
	s29 =	sadd.s32 $0xFFFFFFFF, s1;
	s30 =	simm.s32 $0x1480  }
0x82: {  	[tilespmem:s11], [sflag:$0x2] =	stream.indirect.gather [hbm4b:s2+s13], $0x80, s10, s13, $0xb8;
	[tilespmem:$0x1DF00] =	vst v63  }
.LBB2_6:
0x83: {  	[tilespmem:s31], [sflag:$0x1] =	stream.indirect.gather [hbm4b:s5+s13], $0x80, s30, s13, $0xb8;
	[tilespmem:$0x1DF00] =	vst v63  }
0x84: {  	p1 =	seq.s32 s29, $0x1  }
.Ltmp7:
0x85: {  	s29 =	sadd.s32 $0xFFFFFFFF, s29;
	(pc) =	sbr.rel @!p1 .LBB2_6-.Ltmp7, $4  }
0x86: {  	s10 =	sadd.s32 $0x80, s10;
	s11 =	sadd.s32 $0x4000, s11  }
0x87: {  	[tilespmem:s11], [sflag:$0x2] =	stream.indirect.gather [hbm4b:s2+s13], $0x80, s10, s13, $0xb8;
	[tilespmem:$0x1DF00] =	vst v63  }
0x88: {  	_ = 	snop  }
0x89: {  	s30 =	sadd.s32 $0x80, s30;
	s31 =	sadd.s32 $0x4000, s31  }
.LBB2_7:
.Ltmp8:
0x8a: {  	_ =	swait.ge [sflag:s15], $0x4000;
	(pc) =	sbr.rel @p0 .LBB2_9-.Ltmp8, $4  }
0x8b: {  	[sflag:s15] =	ssyncset.done $0x0  }
0x8c: {  	[sflag:s15] =	ssyncadd.s32 $0xFFFFC000  }
0x8d: {  	_ =	swait.ge [sflag:s16], $0x4000  }
0x8e: {  	s1 =	sadd.s32 $0xFFFFFFFF, s1;
	[sflag:s16] =	ssyncset.done $0x0  }
.LBB2_8:
0x8f: {  	p0 =	seq.s32 s1, $0x1;
	s1 =	sadd.s32 $0xFFFFFFFF, s1;
	[sflag:s16] =	ssyncadd.s32 $0xFFFFC000  }
.Ltmp9:
0x90: {  	_ =	swait.ge [sflag:s15], $0x4000;
	(pc) =	sbr.rel @!p0 .LBB2_8-.Ltmp9, $4  }
0x91: {  	[sflag:s15] =	ssyncset.done $0x0  }
0x92: {  	[sflag:s15] =	ssyncadd.s32 $0xFFFFC000  }
0x93: {  	_ =	swait.ge [sflag:s16], $0x4000  }
0x94: {  	[sflag:s16] =	ssyncset.done $0x0  }
.LBB2_9:
0x95: {  	[sflag:s16] =	ssyncadd.s32 $0xFFFFC000  }
.LBB2_10:
0x96: {  	p0 =	sgt.s32 s0, $0x0  }
.Ltmp10:
0x97: {  	_ = 	snop;
	(pc) =	sbr.rel @!p0 .LBB2_15-.Ltmp10, $2  }
0x98: {  	_ =	sdelay $0x2  }
0x99: {  	s29 =	simm.s32 $0x0  }
0x9a: {  	s30 =	simm.s32 $0xF600;
	s31 =	simm.s32 $0x1600;
	s0 =	simm.s32 $0x0  }
.LBB2_12:
0x9b: {  	v9 =	vmov s31;
	_ =	sdelay $0x3  }
0x9c: {  	s1 =	simm.s32 $0x0  }
0x9d: {  	v10 =	vld.idx.msk [tilespmem:v9+s1+$0x0 ss:$0x1], $0xffff;
	_ =	sdelay $0x4  }
0x9e: {  	vm0 =	vge.f32 v10, v7  }
0x9f: {  	v8 =	vsel vm0, $0x3F800000, v4  }
0xa0: {  	(xrf0) =	vmax.scan.msk.f32 $0xffff, v8;
	_ =	sdelay $0x5  }
0xa1: {  	v8, _, _ =	vpop (xrf0)  }
0xa2: {  	(v2sf) =	vpush v8, $0xF;
	_ =	sdelay $0xe  }
0xa3: {  	s23 =	spop (v2sf)  }
0xa4: {  	v8 =	vmov s30;
	p0 =	sgt.f32 s23, $0.0e+00;
	_ =	sdelay $0x1  }
0xa5: {  	vm0 =	vge.f32 @p0 v10, v7;
	v11 =	vimm.s32 @p0 $0x0  }
0xa6: {  	v11 =	vsel @p0 vm0, $0x1, v11  }
0xa7: {  	s1 =	simm.s32 @p0 $0x0;
	(xrf0) =	vadd.scan.msk.s32 @p0 $0xffff, v11  }
0xa8: {  	v11 =	vld.idx.msk @p0 [tilespmem:v8+s1+$0x0 ss:$0x1], $0xffff  }
0xa9: {  	v12 =	vlaneseq.u32 @p0  }
0xaa: {  	v13 =	vor.u32 @p0 $0x80000010, v12;
	v12 =	vor.u32 @p0 $0x80000000, v12  }
0xab: {  	v12 =	vsel @p0 vm0, v12, v13  }
0xac: {  	(xrf1) =	vsort.ascd.msk.u32 @p0 $0xffff, v12, v10  }
0xad: {  	(xrf1) =	vsort.ascd.msk.u32 @p0 $0xffff, v12, v11;
	v10, _, _ =	vpop @p0 (xrf0)  }
0xae: {  	(v2sf) =	vpush @p0 v10, $0xF;
	_ =	sdelay $0xb  }
0xaf: {  	_, v10, _ =	vpop @p0 (xrf1)  }
0xb0: {  	[tilespmem:s29+$0x1D600] =	vst @p0 v10;
	_, v10, _ =	vpop @p0 (xrf1)  }
0xb1: {  	s10 =	simm.s32 $0x10;
	[tilespmem:s29+$0x1D880] =	vst @p0 v10  }
0xb2: {  	v10 =	vld.idx.msk [tilespmem:v9+s10+$0x0 ss:$0x1], $0xffff;
	s11 =	spop @p0 (v2sf)  }
0xb3: {  	s1 =	simm.s32 $0x40;
	s10 =	simm.s32 $0x80;
	s11 =	sadd.s32 @p0 s29, s11  }
.LBB2_13:
0xb4: {  	s29 =	smov.u32 @p0 s11;
	s11 =	smov.u32 s10;
	s10 =	sadd.s32 $0x40, s10  }
0xb5: {  	p1 =	sne.s32 s10, $0x200;
	_ =	sdelay $0x1  }
0xb6: {  	vm0 =	vge.f32 v10, v7  }
0xb7: {  	v11 =	vsel vm0, $0x3F800000, v4  }
0xb8: {  	(xrf0) =	vmax.scan.msk.f32 $0xffff, v11;
	_ =	sdelay $0x5  }
0xb9: {  	v11, _, _ =	vpop (xrf0)  }
0xba: {  	(v2sf) =	vpush v11, $0xF;
	_ =	sdelay $0xe  }
0xbb: {  	s23 =	spop (v2sf)  }
0xbc: {  	p0 =	sgt.f32 s23, $0.0e+00;
	_ =	sdelay $0x1  }
0xbd: {  	vm0 =	vge.f32 @p0 v10, v7;
	s23 =	sshra.s32 @p0 s1, $0x2;
	v11 =	vlaneseq.u32 @p0;
	v12 =	vimm.s32 @p0 $0x0;
	s1 =	smov.u32 s11  }
0xbe: {  	v13 =	vld.idx.msk @p0 [tilespmem:v8+s23+$0x0 ss:$0x1], $0xffff;
	v14 =	vor.u32 @p0 $0x80000010, v11;
	v11 =	vor.u32 @p0 $0x80000000, v11;
	v12 =	vsel @p0 vm0, $0x1, v12  }
0xbf: {  	v11 =	vsel @p0 vm0, v11, v14;
	(xrf0) =	vadd.scan.msk.s32 @p0 $0xffff, v12  }
0xc0: {  	(xrf1) =	vsort.ascd.msk.u32 @p0 $0xffff, v11, v10;
	_ =	sdelay $0x3  }
0xc1: {  	(xrf1) =	vsort.ascd.msk.u32 @p0 $0xffff, v11, v13  }
0xc2: {  	v10, _, _ =	vpop @p0 (xrf0)  }
0xc3: {  	(v2sf) =	vpush @p0 v10, $0xF;
	_ =	sdelay $0x7  }
0xc4: {  	_, v10, _ =	vpop @p0 (xrf1)  }
0xc5: {  	[tilespmem:s29+$0x1D600] =	vst @p0 v10;
	_ =	sdelay $0x2  }
.Ltmp11:
0xc6: {  	_, v10, _ =	vpop @p0 (xrf1);
	(pc) =	sbr.rel @p1 .LBB2_13-.Ltmp11, $4  }
0xc7: {  	s11 =	sshra.s32 s1, $0x2;
	[tilespmem:s29+$0x1D880] =	vst @p0 v10  }
0xc8: {  	v10 =	vld.idx.msk [tilespmem:v9+s11+$0x0 ss:$0x1], $0xffff  }
0xc9: {  	s11 =	spop @p0 (v2sf)  }
0xca: {  	s11 =	sadd.s32 @p0 s29, s11  }
0xcb: {  	_ =	sdelay $0x1  }
0xcc: {  	vm0 =	vge.f32 v10, v7  }
0xcd: {  	v9 =	vsel vm0, $0x3F800000, v4  }
0xce: {  	(xrf0) =	vmax.scan.msk.f32 $0xffff, v9;
	_ =	sdelay $0x5  }
0xcf: {  	v9, _, _ =	vpop (xrf0)  }
0xd0: {  	(v2sf) =	vpush v9, $0xF;
	_ =	sdelay $0xe  }
0xd1: {  	s10 =	spop (v2sf)  }
0xd2: {  	p1 =	sgt.f32 s10, $0.0e+00;
	_ =	sdelay $0x1  }
0xd3: {  	vm0 =	vge.f32 @p1 v10, v7;
	v9 =	vimm.s32 @p1 $0x0  }
0xd4: {  	v9 =	vsel @p1 vm0, $0x1, v9  }
0xd5: {  	(xrf0) =	vadd.scan.msk.s32 @p1 $0xffff, v9;
	_ =	sdelay $0x1  }
0xd6: {  	v9 =	vlaneseq.u32 @p1  }
0xd7: {  	s1 =	sshra.s32 @p1 s1, $0x2;
	v11 =	vor.u32 @p1 $0x80000010, v9  }
0xd8: {  	v8 =	vld.idx.msk @p1 [tilespmem:v8+s1+$0x0 ss:$0x1], $0xffff  }
0xd9: {  	v9 =	vor.u32 @p1 $0x80000000, v9  }
0xda: {  	v9 =	vsel @p1 vm0, v9, v11;
	v11, _, _ =	vpop @p1 (xrf0)  }
0xdb: {  	(v2sf) =	vpush @p1 v11, $0xF  }
0xdc: {  	(xrf1) =	vsort.ascd.msk.u32 @p1 $0xffff, v9, v10  }
0xdd: {  	(xrf1) =	vsort.ascd.msk.u32 @p1 $0xffff, v9, v8;
	_ =	sdelay $0xc  }
0xde: {  	s29 =	smov.u32 @p0 s11;
	_, v8, _ =	vpop @p1 (xrf1);
	s1 =	spop @p1 (v2sf)  }
0xdf: {  	s0 =	sadd.s32 $0x1, s0;
	[tilespmem:s29+$0x1D600] =	vst @p1 v8;
	_, v8, _ =	vpop @p1 (xrf1);
	s1 =	sadd.s32 @p1 s29, s1  }
0xe0: {  	[tilespmem:s29+$0x1D880] =	vst @p1 v8;
	s29 =	smov.u32 @p1 s1;
	p1 =	seq.s32 s0, s28  }
.Ltmp12:
0xe1: {  	_ = 	snop;
	(pc) =	sbr.rel @!p1 .LBB2_12-.Ltmp12, $3  }
0xe2: {  	_ =	sdelay $0x1  }
0xe3: {  	p0 =	slt.s32 s29, $0x200  }
0xe4: {  	s30 =	sadd.s32 $0x80, s30;
	s31 =	sadd.s32 $0x80, s31;
	s29 =	simm.s32 @!p0 $0x200  }
.LBB2_15:
0xe5: {  	s0 =	sadd.s32 $0xF, s29  }
0xe6: {  	s1 =	sand.u32 $0xF, s0  }
0xe7: {  	p1 =	slt.s32 s29, $0xFFFFFFF2;
	s31 =	sshra.s32 s0, $0x1F;
	p0 =	sne.s32 s1, $0x0  }
0xe8: {  	s1 =	sshrl.u32 s31, $0x1C;
	p0 =	por !p1, !p0  }
0xe9: {  	s0 =	sadd.s32 s1, s0;
	s1 =	simm.s32 $0x1;
	p0 =	por !p0, !p0  }
0xea: {  	s0 =	sshra.s32 s0, $0x4;
	s1 =	simm.s32 @!p0 $0x0  }
0xeb: {  	s28 =	ssub.s32 s0, s1  }
0xec: {  	p0 =	sgt.s32 s28, $0x0  }
.Ltmp13:
0xed: {  	_ = 	snop;
	(pc) =	sbr.rel @!p0 .LBB2_22-.Ltmp13, $4  }
0xee: {  	[tilespmem:s29+$0x1D600] =	vst v5  }
0xef: {  	[tilespmem:s29+$0x1D880] =	vst v6  }
0xf0: {  	[tilespmem:s29+$0x1D610] =	vst v5  }
0xf1: {  	[tilespmem:s29+$0x1D890] =	vst v6  }
0xf2: {  	p1 =	seq.s32 s28, $0x1  }
.Ltmp14:
0xf3: {  	_ = 	snop;
	(pc) =	sbr.rel @p1 .LBB2_17-.Ltmp14, $3  }
0xf4: {  	_ =	sdelay $0x1  }
0xf5: {  	s1 =	simm.s32 $0x1D600  }
0xf6: {  	s0 =	simm.s32 $0x1DB00;
	p0 =	por $0x0, $0x0;
	v7 =	vld [tilespmem:s1+$0x0];
	s1 =	sadd.s32 $0xFFFFFFFF, s28  }
0xf7: {  	_ =	sdelay $0x1  }
0xf8: {  	p1 =	seq.s32 s1, $0x1  }
.Ltmp15:
0xf9: {  	_ = 	snop;
	(pc) =	sbr.rel @p1 .LBB2_19-.Ltmp15, $4  }
0xfa: {  	v8 =	vor.u32 $0x80000000, v7;
	v9 =	vxor.u32 $0xFFFFFFFF, v7;
	vm0 =	vlt.s32 v7, $0x0  }
0xfb: {  	v7 =	vsel vm0, v9, v8  }
0xfc: {  	s10 =	simm.s32 $0x1D610;
	[tilespmem:s0+$0x0] =	vst v7  }
0xfd: {  	s11 =	sadd.s32 $0xFFFFFFFF, s1;
	p0 =	por $0x1, $0x1;
	s1 =	simm.s32 $0x1DB00;
	v7 =	vld [tilespmem:s10+$0x0]  }
.LBB2_20:
0xfe: {  	p1 =	seq.s32 s11, $0x1;
	_ =	sdelay $0x2  }
.Ltmp16:
0xff: {  	(pc) =	sbr.rel @!p1 .LBB2_20-.Ltmp16, $4  }
0x100: {  	v8 =	vor.u32 $0x80000000, v7;
	v9 =	vxor.u32 $0xFFFFFFFF, v7;
	vm0 =	vlt.s32 v7, $0x0  }
0x101: {  	s1 =	sadd.s32 $0x10, s1;
	v7 =	vsel vm0, v9, v8  }
0x102: {  	s10 =	sadd.s32 $0x10, s10;
	[tilespmem:s1+$0x0] =	vst v7  }
0x103: {  	s11 =	sadd.s32 $0xFFFFFFFF, s11;
	v7 =	vld [tilespmem:s10+$0x0]  }
.LBB2_21:
0x104: {  	_ =	sdelay $0x3  }
0x105: {  	s1 =	sadd.s32 @p0 $0x10, s1;
	v8 =	vor.u32 $0x80000000, v7;
	v9 =	vxor.u32 $0xFFFFFFFF, v7;
	vm0 =	vlt.s32 v7, $0x0  }
0x106: {  	s0 =	smov.u32 @p0 s1;
	v7 =	vsel vm0, v9, v8  }
0x107: {  	[tilespmem:s0+$0x0] =	vst v7  }
.LBB2_22:
.Ltmp17:
0x108: {  	(pc) =	sbr.rel .LBB2_23-.Ltmp17, $2  }
0x109: {  	_ =	sdelay $0x2  }
0x10a: {  	s0 =	simm.s32 $0x0;
	p0 =	slt.s32 s28, $0x1;
	s1 =	simm.s32 $0x0  }
.LBB2_24:
0x10b: {  	v7 =	vimm.s32 $0x0  }
.LBB2_30:
0x10c: {  	(xrf0) =	vadd.scan.msk.s32 $0xffff, v7;
	_ =	sdelay $0x5  }
0x10d: {  	v7, _, _ =	vpop (xrf0)  }
0x10e: {  	(v2sf) =	vpush v7, $0xF;
	_ =	sdelay $0xa  }
0x10f: {  	s1 =	sadd.s32 $0x1, s1  }
0x110: {  	p2 =	seq.s32 s1, $0x20  }
.Ltmp18:
0x111: {  	_ = 	snop;
	(pc) =	sbr.rel @p2 .LBB2_25-.Ltmp18, $4  }
0x112: {  	_ = 	snop  }
0x113: {  	s11 =	spop (v2sf)  }
0x114: {  	p1 =	sgt.s32 s11, $0x63  }
0x115: {  	s0 =	smov.u32 @p1 s10  }
.LBB2_23:
.Ltmp19:
0x116: {  	(pc) =	sbr.rel @p0 .LBB2_24-.Ltmp19, $3  }
0x117: {  	_ =	sdelay $0x1  }
0x118: {  	s10 =	sshrl.u32 s17, s1  }
0x119: {  	s10 =	sor.u32 s10, s0  }
0x11a: {  	s11 =	simm.s32 $0x1DB00  }
0x11b: {  	p1 =	sne.s32 s28, $0x1;
	v9 =	vld [tilespmem:s11+$0x0]  }
.Ltmp20:
0x11c: {  	_ = 	snop;
	(pc) =	sbr.rel @!p1 .LBB2_29-.Ltmp20, $3  }
0x11d: {  	_ =	sdelay $0x1  }
0x11e: {  	v8 =	vmov s10  }
0x11f: {  	v7 =	vimm.s32 $0x0;
	s29 =	simm.s32 $0x1DB10;
	s11 =	sadd.s32 $0xFFFFFFFF, s28;
	vm0 =	vge.u32 v9, v8  }
.LBB2_28:
0x120: {  	v9 =	vld [tilespmem:s29+$0x0];
	p1 =	sne.s32 s11, $0x1;
	s11 =	sadd.s32 $0xFFFFFFFF, s11;
	v10 =	vsel vm0, $0x1, v3  }
.Ltmp21:
0x121: {  	v7 =	vadd.s32 v10, v7;
	(pc) =	sbr.rel @p1 .LBB2_28-.Ltmp21, $2  }
0x122: {  	_ =	sdelay $0x2  }
0x123: {  	s29 =	sadd.s32 $0x10, s29;
	vm0 =	vge.u32 v9, v8  }
.LBB2_29:
.Ltmp22:
0x124: {  	(pc) =	sbr.rel .LBB2_30-.Ltmp22, $3  }
0x125: {  	_ =	sdelay $0x1  }
0x126: {  	v8 =	vsel vm0, $0x1, v3  }
0x127: {  	v7 =	vadd.s32 v8, v7  }
.LBB2_25:
.Ltmp23:
0x128: {  	(pc) =	sbr.rel @p0 .LBB2_26-.Ltmp23, $2  }
0x129: {  	_ =	sdelay $0x2  }
0x12a: {  	v7 =	vmov s0;
	v8 =	vimm.s32 $0x0  }
0x12b: {  	s0 =	simm.s32 $0x1DB00  }
0x12c: {  	p1 =	sne.s32 s28, $0x1;
	v9 =	vld [tilespmem:s0+$0x0]  }
.Ltmp24:
0x12d: {  	_ = 	snop;
	(pc) =	sbr.rel @!p1 .LBB2_33-.Ltmp24, $2  }
0x12e: {  	_ =	sdelay $0x2  }
0x12f: {  	s1 =	simm.s32 $0x1DB10;
	s0 =	sadd.s32 $0xFFFFFFFF, s28;
	vm0 =	vgt.u32 v9, v7;
	vm1 =	veq.s32 v9, v7;
	v9 =	vimm.s32 $0x0  }
.LBB2_32:
0x130: {  	v10 =	vld [tilespmem:s1+$0x0];
	p1 =	sne.s32 s0, $0x1;
	s0 =	sadd.s32 $0xFFFFFFFF, s0;
	v11 =	vsel vm0, $0x1, v3;
	v12 =	vsel vm1, $0x1, v3  }
.Ltmp25:
0x131: {  	v8 =	vadd.s32 v11, v8;
	v9 =	vadd.s32 v12, v9;
	(pc) =	sbr.rel @p1 .LBB2_32-.Ltmp25, $2  }
0x132: {  	_ =	sdelay $0x2  }
0x133: {  	s1 =	sadd.s32 $0x10, s1;
	vm0 =	vgt.u32 v10, v7;
	vm1 =	veq.s32 v10, v7  }
.LBB2_33:
.Ltmp26:
0x134: {  	(pc) =	sbr.rel .LBB2_34-.Ltmp26, $3  }
0x135: {  	_ =	sdelay $0x1  }
0x136: {  	v10 =	vsel vm0, $0x1, v3;
	v11 =	vsel vm1, $0x1, v3  }
0x137: {  	v8 =	vadd.s32 v10, v8;
	v9 =	vadd.s32 v11, v9  }
.LBB2_26:
0x138: {  	v9 =	vimm.s32 $0x0  }
.LBB2_34:
0x139: {  	(xrf0) =	vadd.scan.msk.s32 $0xffff, v8  }
0x13a: {  	(xrf0) =	vadd.scan.msk.s32 $0xffff, v9;
	_ =	sdelay $0x4  }
0x13b: {  	v8, _, _ =	vpop (xrf0)  }
0x13c: {  	(v2sf) =	vpush v8, $0xF;
	v8, _, _ =	vpop (xrf0)  }
0x13d: {  	(v2sf) =	vpush v8, $0xF;
	_ =	sdelay $0xd  }
0x13e: {  	s0 =	spop (v2sf)  }
0x13f: {  	s10 =	spop (v2sf);
	s1 =	ssub.s32 $0x64, s0  }
0x140: {  	p1 =	sle.s32 s10, s1  }
.Ltmp27:
0x141: {  	_ = 	snop;
	(pc) =	sbr.rel @p1 .LBB2_42-.Ltmp27, $2  }
0x142: {  	_ =	sdelay $0x2  }
0x143: {  	s0 =	simm.s32 $0x10000  }
.Ltmp28:
0x144: {  	(pc) =	sbr.rel .LBB2_36-.Ltmp28, $2  }
0x145: {  	_ =	sdelay $0x2  }
0x146: {  	s0 =	simm.s32 $0x0;
	s10 =	simm.s32 $0x0  }
.LBB2_37:
0x147: {  	v8 =	vimm.s32 $0x0  }
.LBB2_41:
0x148: {  	(xrf0) =	vadd.scan.msk.s32 $0xffff, v8;
	_ =	sdelay $0x5  }
0x149: {  	v8, _, _ =	vpop (xrf0)  }
0x14a: {  	(v2sf) =	vpush v8, $0xF;
	_ =	sdelay $0xa  }
0x14b: {  	s10 =	sadd.s32 $0x1, s10  }
0x14c: {  	p2 =	sne.s32 s10, $0x11  }
.Ltmp29:
0x14d: {  	_ = 	snop;
	(pc) =	sbr.rel @!p2 .LBB2_42-.Ltmp29, $4  }
0x14e: {  	_ = 	snop  }
0x14f: {  	s23 =	spop (v2sf)  }
0x150: {  	p1 =	slt.s32 s23, s1  }
0x151: {  	s0 =	smov.u32 @p1 s11  }
.LBB2_36:
.Ltmp30:
0x152: {  	(pc) =	sbr.rel @p0 .LBB2_37-.Ltmp30, $3  }
0x153: {  	_ =	sdelay $0x1  }
0x154: {  	s11 =	sshrl.u32 s18, s10  }
0x155: {  	s11 =	sor.u32 s11, s0  }
0x156: {  	s23 =	simm.s32 $0x1DB00  }
0x157: {  	s29 =	simm.s32 $0x1D880;
	p1 =	sne.s32 s28, $0x1;
	v10 =	vld [tilespmem:s23+$0x0]  }
.Ltmp31:
0x158: {  	v11 =	vld [tilespmem:s29+$0x0];
	(pc) =	sbr.rel @!p1 .LBB2_40-.Ltmp31, $2  }
0x159: {  	_ =	sdelay $0x2  }
0x15a: {  	v9 =	vmov s11;
	v8 =	vimm.s32 $0x0;
	s30 =	sadd.s32 $0xFFFFFFFF, s28;
	s31 =	simm.s32 $0x1DB10  }
.LBB2_39:
0x15b: {  	vm0 =	veq.s32 v10, v7;
	v10 =	vld [tilespmem:s31+$0x0];
	vm1 =	vlt.s32 v11, v9;
	s29 =	sadd.s32 $0x10, s29;
	p1 =	sne.s32 s30, $0x1  }
.Ltmp32:
0x15c: {  	s30 =	sadd.s32 $0xFFFFFFFF, s30;
	v11 =	vld [tilespmem:s29+$0x0];
	vm0 =	vmand vm0, vm1;
	(pc) =	sbr.rel @p1 .LBB2_39-.Ltmp32, $3  }
0x15d: {  	v12 =	vsel vm0, $0x1, v3  }
0x15e: {  	v8 =	vadd.s32 v12, v8;
	_ =	sdelay $0x1  }
0x15f: {  	s31 =	sadd.s32 $0x10, s31  }
.LBB2_40:
.Ltmp33:
0x160: {  	(pc) =	sbr.rel .LBB2_41-.Ltmp33, $4  }
0x161: {  	vm0 =	veq.s32 v10, v7;
	vm1 =	vlt.s32 v11, v9  }
0x162: {  	vm0 =	vmand vm0, vm1  }
0x163: {  	v9 =	vsel vm0, $0x1, v3  }
0x164: {  	v8 =	vadd.s32 v9, v8  }
.LBB2_42:
0x165: {  	[tilespmem:$0x1DD80] =	vst v5  }
0x166: {  	[tilespmem:$0x1DE00] =	vst v3  }
0x167: {  	[tilespmem:$0x1DD90] =	vst v5  }
0x168: {  	[tilespmem:$0x1DE10] =	vst v3  }
0x169: {  	[tilespmem:$0x1DDA0] =	vst v5  }
0x16a: {  	[tilespmem:$0x1DE20] =	vst v3  }
0x16b: {  	[tilespmem:$0x1DDB0] =	vst v5  }
0x16c: {  	[tilespmem:$0x1DE30] =	vst v3  }
0x16d: {  	[tilespmem:$0x1DDC0] =	vst v5  }
0x16e: {  	[tilespmem:$0x1DE40] =	vst v3  }
0x16f: {  	[tilespmem:$0x1DDD0] =	vst v5  }
.Ltmp34:
0x170: {  	[tilespmem:$0x1DE50] =	vst v3;
	(pc) =	sbr.rel @p0 .LBB2_49-.Ltmp34, $4  }
0x171: {  	[tilespmem:$0x1DDE0] =	vst v5  }
0x172: {  	[tilespmem:$0x1DE60] =	vst v3  }
0x173: {  	[tilespmem:$0x1DDF0] =	vst v5  }
0x174: {  	[tilespmem:$0x1DE70] =	vst v3  }
0x175: {  	s1 =	simm.s32 $0x1DB00  }
0x176: {  	s10 =	simm.s32 $0x1D880;
	v10 =	vld [tilespmem:s1+$0x0]  }
0x177: {  	v8 =	vmov s0;
	s0 =	sadd.s32 $0xFFFFFFFF, s28;
	v9 =	vld [tilespmem:s10+$0x0]  }
0x178: {  	p1 =	sne.s32 s0, $0x0  }
.Ltmp35:
0x179: {  	_ = 	snop;
	(pc) =	sbr.rel @!p1 .LBB2_44-.Ltmp35, $3  }
0x17a: {  	_ =	sdelay $0x1  }
0x17b: {  	vm1 =	veq.s32 v10, v7;
	vm2 =	vle.s32 v9, v8  }
0x17c: {  	s28 =	simm.s32 $0x0;
	s29 =	simm.s32 $0x1D600;
	p0 =	por $0x0, $0x0;
	vm0 =	vgt.u32 v10, v7;
	vm1 =	vmand vm1, vm2  }
0x17d: {  	vm0 =	vmor vm0, vm1  }
0x17e: {  	v10 =	vsel vm0, $0x3F800000, v4  }
0x17f: {  	(xrf0) =	vmax.scan.msk.f32 $0xffff, v10;
	_ =	sdelay $0x5  }
0x180: {  	v10, _, _ =	vpop (xrf0)  }
0x181: {  	(v2sf) =	vpush v10, $0xF;
	_ =	sdelay $0xe  }
0x182: {  	s1 =	spop (v2sf)  }
0x183: {  	p1 =	sgt.f32 s1, $0.0e+00;
	_ =	sdelay $0x1  }
0x184: {  	v10 =	vimm.s32 @p1 $0x0;
	v11 =	vld @p1 [tilespmem:s29+$0x0]  }
0x185: {  	v12 =	vlaneseq.u32 @p1;
	v10 =	vsel @p1 vm0, $0x1, v10  }
0x186: {  	(xrf0) =	vadd.scan.msk.s32 @p1 $0xffff, v10;
	v10 =	vor.u32 @p1 $0x80000010, v12;
	v12 =	vor.u32 @p1 $0x80000000, v12  }
0x187: {  	v10 =	vsel @p1 vm0, v12, v10  }
0x188: {  	(xrf1) =	vsort.ascd.msk.u32 @p1 $0xffff, v10, v9  }
0x189: {  	(xrf1) =	vsort.ascd.msk.u32 @p1 $0xffff, v10, v11;
	_ =	sdelay $0x2  }
0x18a: {  	v9, _, _ =	vpop @p1 (xrf0)  }
0x18b: {  	(v2sf) =	vpush @p1 v9, $0xF;
	_ =	sdelay $0x8  }
0x18c: {  	_, v9, _ =	vpop @p1 (xrf1)  }
0x18d: {  	[tilespmem:s28+$0x1DE00] =	vst @p1 v9;
	_, v9, _ =	vpop @p1 (xrf1)  }
0x18e: {  	s30 =	simm.s32 $0x1DB10;
	[tilespmem:s28+$0x1DD80] =	vst @p1 v9  }
0x18f: {  	s31 =	simm.s32 $0x1D890;
	v10 =	vld [tilespmem:s30+$0x0]  }
0x190: {  	s10 =	sadd.s32 $0xFFFFFFFF, s0;
	v9 =	vld [tilespmem:s31+$0x0]  }
0x191: {  	p2 =	sne.s32 s10, $0x0  }
.Ltmp36:
0x192: {  	s1 =	spop @p1 (v2sf);
	(pc) =	sbr.rel @!p2 .LBB2_46-.Ltmp36, $4  }
0x193: {  	s11 =	sadd.s32 @p1 $0x0, s1  }
0x194: {  	p0 =	slt.s32 @p1 s11, $0x70  }
0x195: {  	s0 =	simm.s32 $0x0;
	vm1 =	veq.s32 v10, v7;
	vm2 =	vle.s32 v9, v8;
	p0 =	por !p0, !p1  }
0x196: {  	s1 =	simm.s32 $0x1D600;
	vm0 =	vgt.u32 v10, v7;
	vm1 =	vmand vm1, vm2;
	s11 =	simm.s32 @p0 $0x70;
	p0 =	por $0x1, $0x1  }
.LBB2_47:
0x197: {  	s10 =	sadd.s32 $0xFFFFFFFF, s10;
	vm0 =	vmor vm0, vm1;
	s0 =	smov.u32 @p1 s11;
	s1 =	sadd.s32 $0x10, s1  }
0x198: {  	p2 =	sne.s32 s10, $0x0;
	v10 =	vsel vm0, $0x3F800000, v4  }
0x199: {  	(xrf0) =	vmax.scan.msk.f32 $0xffff, v10;
	_ =	sdelay $0x5  }
0x19a: {  	v10, _, _ =	vpop (xrf0)  }
0x19b: {  	(v2sf) =	vpush v10, $0xF;
	_ =	sdelay $0xe  }
0x19c: {  	s11 =	spop (v2sf)  }
0x19d: {  	p1 =	sgt.f32 s11, $0.0e+00;
	_ =	sdelay $0x1  }
0x19e: {  	v10 =	vld @p1 [tilespmem:s1+$0x0];
	v11 =	vlaneseq.u32 @p1;
	v12 =	vimm.s32 @p1 $0x0  }
0x19f: {  	v13 =	vor.u32 @p1 $0x80000010, v11;
	v11 =	vor.u32 @p1 $0x80000000, v11;
	v12 =	vsel @p1 vm0, $0x1, v12  }
0x1a0: {  	v11 =	vsel @p1 vm0, v11, v13;
	(xrf0) =	vadd.scan.msk.s32 @p1 $0xffff, v12  }
0x1a1: {  	(xrf1) =	vsort.ascd.msk.u32 @p1 $0xffff, v11, v9;
	_ =	sdelay $0x1  }
0x1a2: {  	(xrf1) =	vsort.ascd.msk.u32 @p1 $0xffff, v11, v10;
	_ =	sdelay $0x2  }
0x1a3: {  	v9, _, _ =	vpop @p1 (xrf0)  }
0x1a4: {  	(v2sf) =	vpush @p1 v9, $0xF;
	_ =	sdelay $0x7  }
0x1a5: {  	_, v9, _ =	vpop @p1 (xrf1)  }
0x1a6: {  	[tilespmem:s0+$0x1DE00] =	vst @p1 v9  }
0x1a7: {  	_, v9, _ =	vpop @p1 (xrf1)  }
0x1a8: {  	s30 =	sadd.s32 $0x10, s30;
	[tilespmem:s0+$0x1DD80] =	vst @p1 v9  }
0x1a9: {  	s31 =	sadd.s32 $0x10, s31;
	v10 =	vld [tilespmem:s30+$0x0]  }
0x1aa: {  	v9 =	vld [tilespmem:s31+$0x0];
	_ =	sdelay $0x1  }
.Ltmp37:
0x1ab: {  	s11 =	spop @p1 (v2sf);
	(pc) =	sbr.rel @p2 .LBB2_47-.Ltmp37, $4  }
0x1ac: {  	s11 =	sadd.s32 @p1 s0, s11  }
0x1ad: {  	p3 =	slt.s32 @p1 s11, $0x70  }
0x1ae: {  	vm1 =	veq.s32 v10, v7;
	vm2 =	vle.s32 v9, v8;
	p3 =	por !p3, !p1  }
0x1af: {  	vm0 =	vgt.u32 v10, v7;
	vm1 =	vmand vm1, vm2;
	s11 =	simm.s32 @p3 $0x70  }
.Ltmp38:
0x1b0: {  	_ = 	snop;
	(pc) =	sbr.rel .LBB2_48-.Ltmp38, $1  }
0x1b1: {  	_ =	sdelay $0x3  }
.LBB2_17:
.Ltmp39:
0x1b2: {  	(pc) =	sbr.rel .LBB2_21-.Ltmp39, $2  }
0x1b3: {  	_ =	sdelay $0x2  }
0x1b4: {  	s1 =	simm.s32 $0x1DB00  }
.LBB2_19:
.Ltmp40:
0x1b5: {  	(pc) =	sbr.rel .LBB2_21-.Ltmp40, $2  }
0x1b6: {  	_ =	sdelay $0x2  }
0x1b7: {  	s1 =	simm.s32 $0x1DB00  }
.LBB2_46:
.Ltmp41:
0x1b8: {  	(pc) =	sbr.rel .LBB2_48-.Ltmp41, $2  }
0x1b9: {  	_ =	sdelay $0x2  }
0x1ba: {  	s0 =	simm.s32 $0x0;
	s1 =	simm.s32 $0x1D600  }
.LBB2_51:
0x1bb: {  	_ =	sfence.sel $0x180000  }
0x1bc: {  	[bflag:$0x0] =	sbarrier.arrive $0xFFFF  }
0x1bd: {  	_ =	strace $0x90000047  }
0x1be: {  	s0 =	stileid.u32;
	[bflag:$0x2] =	sbarrier.arrive $0xFFFF  }
0x1bf: {  	p0 =	sne.s32 s0, $0x0;
	s0 =	rddreg [dreg:$0x2]  }
0x1c0: {  	s0 =	sadd.s32 @!p0 $0x100000, s0  }
0x1c1: {  	[sflag:s0] =	ssyncadd.tile.s32 @!p0 $0x1;
	_ =	shalt  }
.Lfunc_end2:
_tile_overlayer_lowered:
.L_overlay_start_2:
0x1c2: {  	(tag) =	ssettag $0x2  }
0x1c3: {  	s0 =	rddreg [dreg:$0x0];
	s2 =	stileid.u32  }
0x1c4: {  	s1 =	rddreg [dreg:$0x1];
	p0 =	sne.s32 s2, $0x0  }
0x1c5: {  	s3 =	rddreg [dreg:$0x2];
	[bflag:$0x3] =	sbarrier.arrive $0xFFFF;
	s2 =	simm.s32 @!p0 $0x1C04  }
0x1c6: {  	[timem:s3], [sflag:s2] =	dma.local @!p0 [hbm:s0], s1  }
0x1c7: {  	s0 =	simm.s32 @!p0 $0x4  }
0x1c8: {  	_ =	swait.ge @!p0 [sflag:s0], s1  }
0x1c9: {  	s1 =	ssub.s32 @!p0 $0x0, s1;
	[sflag:s0] =	ssyncset.done @!p0 $0x0  }
0x1ca: {  	[sflag:s0] =	ssyncadd.s32 @!p0 s1  }
0x1cb: {  	[bflag:$0x3] =	sbarrier.arrive $0xFFFF  }
0x1cc: {  	_ =	shalt  }

</sc_bundles>
